<compile_context>
chip_gen: v7x
topology: tpu7x:2x2x1
jax: 0.10.2.dev20260603
libtpu: 0.0.44.dev20260713+nightly
codegen_flags: <defaults>
</compile_context>

<pallas_src>
import functools

import numpy as np
import jax
import jax.numpy as jnp
from jax import lax
from jax.experimental import pallas as pl
from jax.experimental.pallas import tpu as pltpu
from jax.experimental.pallas import tpu_sc as plsc

_K = 4
_DBLK = 128
_L = 16
_NC = 2
_NS = 16


def _tables(N, N1, N2):
    f1 = np.arange(N1)
    t1 = np.arange(N1)
    a1 = 2.0 * np.pi * ((np.outer(f1, t1) % N1).astype(np.float64) / N1)
    w1re, w1im = np.cos(a1), -np.sin(a1)
    t2 = np.arange(N2)
    at = 2.0 * np.pi * ((np.outer(f1, t2) % N).astype(np.float64) / N)
    twre = np.repeat(np.cos(at), _DBLK, axis=1)
    twim = np.repeat(-np.sin(at), _DBLK, axis=1)
    f2 = np.arange(N2)
    a2 = 2.0 * np.pi * ((np.outer(f2, t2) % N2).astype(np.float64) / N2)
    w2re, w2im = np.cos(a2), -np.sin(a2)
    f32 = np.float32
    return (w1re.astype(f32), w1im.astype(f32), twre.astype(f32),
            twim.astype(f32), w2re.astype(f32), w2im.astype(f32))


def _dft_kernel(x_ref, w1re_ref, w1im_ref, twre_ref, twim_ref, w2re_ref,
                w2im_ref, amp_ref, v_ref, *, N, N1, N2, Fp):
    nyq = N // 2
    x3 = x_ref[0]
    xm = x3.reshape(N1, N2 * _DBLK)

    hp = jax.lax.Precision.HIGHEST
    yre = jnp.dot(w1re_ref[...], xm, preferred_element_type=jnp.float32,
                  precision=hp)
    yim = jnp.dot(w1im_ref[...], xm, preferred_element_type=jnp.float32,
                  precision=hp)

    twre = twre_ref[...]
    twim = twim_ref[...]
    zre = yre * twre - yim * twim
    zim = yre * twim + yim * twre

    z3re = zre.reshape(N1, N2, _DBLK)
    z3im = zim.reshape(N1, N2, _DBLK)
    dn = (((1,), (1,)), ((), ()))
    w2re = w2re_ref[...]
    w2im = w2im_ref[...]
    xfre = (jax.lax.dot_general(w2re, z3re, dn, preferred_element_type=jnp.float32,
                                precision=hp)
            - jax.lax.dot_general(w2im, z3im, dn, preferred_element_type=jnp.float32,
                                  precision=hp))
    xfim = (jax.lax.dot_general(w2re, z3im, dn, preferred_element_type=jnp.float32,
                                precision=hp)
            + jax.lax.dot_general(w2im, z3re, dn, preferred_element_type=jnp.float32,
                                  precision=hp))
    sre = xfre.reshape(N, _DBLK)
    sim = xfim.reshape(N, _DBLK)

    amp2 = sre * sre + sim * sim
    tio = jax.lax.broadcasted_iota(jnp.int32, (N, _DBLK), 0)
    amp2 = jnp.where(tio <= nyq, amp2, -1.0)

    amp_ref[0] = amp2[0:Fp, :]
    v_ref[0] = jnp.concatenate([sre[0:_K, :], sim[0:_K, :]], axis=0)


def _topk_sc(amp2p, B, Fp, D, nyq):
    ngrp = B * (D // _DBLK)
    chunk = 512
    nck = nyq // chunk
    tail = Fp - nck * chunk
    mesh = plsc.VectorSubcoreMesh(core_axis_name="c", subcore_axis_name="s")

    @functools.partial(
        pl.kernel, mesh=mesh,
        out_type=jax.ShapeDtypeStruct((B, 8, D), jnp.int32),
        scratch_types=[
            pltpu.VMEM((chunk, _DBLK), jnp.float32),
            pltpu.VMEM((tail, _DBLK), jnp.float32),
            pltpu.VMEM((8, _DBLK), jnp.int32),
        ],
    )
    def k(amp_hbm, out_hbm, buf, tbuf, obuf):
        wid = lax.axis_index("c") * _NS + lax.axis_index("s")

        @pl.when(wid < ngrp)
        def _():
            b = wid // (D // _DBLK)
            d0 = (wid % (D // _DBLK)) * _DBLK

            def s_body(s, carry0):
                soff = s * _L

                def insert(f, v, c):
                    m1, m2, m3, m4, i1, i2, i3, i4 = c
                    fi = jnp.full((_L,), f, dtype=jnp.int32)
                    g1 = v > m1
                    g2 = v > m2
                    g3 = v > m3
                    g4 = v > m4
                    n4 = jnp.where(g3, m3, jnp.where(g4, v, m4))
                    j4 = jnp.where(g3, i3, jnp.where(g4, fi, i4))
                    n3 = jnp.where(g2, m2, jnp.where(g3, v, m3))
                    j3 = jnp.where(g2, i2, jnp.where(g3, fi, i3))
                    n2 = jnp.where(g1, m1, jnp.where(g2, v, m2))
                    j2 = jnp.where(g1, i1, jnp.where(g2, fi, i2))
                    n1 = jnp.where(g1, v, m1)
                    j1 = jnp.where(g1, fi, i1)
                    return n1, n2, n3, n4, j1, j2, j3, j4

                def c_body(c, st):
                    pltpu.sync_copy(
                        amp_hbm.at[b, pl.ds(c * chunk, chunk), pl.ds(d0, _DBLK)],
                        buf)

                    def r_body(r, st2):
                        return insert(c * chunk + r, buf[r, pl.ds(soff, _L)], st2)

                    return lax.fori_loop(0, chunk, r_body, st)

                neg = jnp.full((_L,), -2.0, dtype=jnp.float32)
                zero = jnp.zeros((_L,), dtype=jnp.int32)
                st = lax.fori_loop(0, nck, c_body,
                                   (neg, neg, neg, neg, zero, zero, zero, zero))
                pltpu.sync_copy(
                    amp_hbm.at[b, pl.ds(nck * chunk, tail), pl.ds(d0, _DBLK)],
                    tbuf)

                def t_body(r, st2):
                    return insert(nck * chunk + r, tbuf[r, pl.ds(soff, _L)], st2)

                st = lax.fori_loop(0, tail, t_body, st)
                obuf[0, pl.ds(soff, _L)] = st[4]
                obuf[1, pl.ds(soff, _L)] = st[5]
                obuf[2, pl.ds(soff, _L)] = st[6]
                obuf[3, pl.ds(soff, _L)] = st[7]
                obuf[4, pl.ds(soff, _L)] = zero
                obuf[5, pl.ds(soff, _L)] = zero
                obuf[6, pl.ds(soff, _L)] = zero
                obuf[7, pl.ds(soff, _L)] = zero
                return carry0

            lax.fori_loop(0, _DBLK // _L, s_body, 0)
            pltpu.sync_copy(obuf, out_hbm.at[b, :, pl.ds(d0, _DBLK)])

    return k(amp2p)


def _synth_kernel(idx_ref, v_ref, out_ref, *, N):
    nyq = N // 2
    lo = 3 * N // 16
    hi = 5 * N // 16
    fint = idx_ref[0, 0:_K, :]
    vre = v_ref[0, 0:_K, :]
    vim = v_ref[0, _K:2 * _K, :]

    w = jnp.where((fint == 0) | (fint == nyq), 1.0, 2.0) / float(N)
    imeff = jnp.where((fint > 0) & (fint <= lo), 0.5 * vim, vim)
    acoef = w * vre
    bcoef = -w * imeff
    mcoef = jnp.where((fint >= hi) & (fint < nyq), 0.5 * w * vim, 0.0)
    fmir = nyq - fint

    tio = jax.lax.broadcasted_iota(jnp.int32, (N, _DBLK), 0)
    jio = jax.lax.broadcasted_iota(jnp.int32, (_K, _DBLK), 0)
    out_ref[0] = jnp.zeros((N, _DBLK), dtype=jnp.float32)

    def body(j, carry):
        sel = jio == j
        fj = jnp.sum(jnp.where(sel, fint, 0), axis=0, keepdims=True)
        aj = jnp.sum(jnp.where(sel, acoef, 0.0), axis=0, keepdims=True)
        bj = jnp.sum(jnp.where(sel, bcoef, 0.0), axis=0, keepdims=True)
        mj = jnp.sum(jnp.where(sel, mcoef, 0.0), axis=0, keepdims=True)
        fm = jnp.sum(jnp.where(sel, fmir, 0), axis=0, keepdims=True)
        r = (tio * fj) & (N - 1)
        ang = r.astype(jnp.float32) * np.float32(2.0 * np.pi / N)
        rm = (tio * fm) & (N - 1)
        angm = rm.astype(jnp.float32) * np.float32(2.0 * np.pi / N)
        out_ref[0] += (aj * jnp.cos(ang) + bj * jnp.sin(ang)
                       + mj * jnp.sin(angm))
        return carry

    jax.lax.fori_loop(0, _K, body, 0)


@jax.jit
def kernel(x):
    B, N, D = x.shape
    N1 = 128
    N2 = N // N1
    nyq = N // 2
    Fp = ((nyq + 1 + 7) // 8) * 8
    nd = D // _DBLK
    w1re, w1im, twre, twim, w2re, w2im = _tables(N, N1, N2)
    x4 = x.reshape(B, N1, N2, D)

    grid = (B, nd)
    amp2p, vpack = pl.pallas_call(
        functools.partial(_dft_kernel, N=N, N1=N1, N2=N2, Fp=Fp),
        grid=grid,
        in_specs=[
            pl.BlockSpec((1, N1, N2, _DBLK), lambda b, j: (b, 0, 0, j)),
            pl.BlockSpec((N1, N1), lambda b, j: (0, 0)),
            pl.BlockSpec((N1, N1), lambda b, j: (0, 0)),
            pl.BlockSpec((N1, N2 * _DBLK), lambda b, j: (0, 0)),
            pl.BlockSpec((N1, N2 * _DBLK), lambda b, j: (0, 0)),
            pl.BlockSpec((N2, N2), lambda b, j: (0, 0)),
            pl.BlockSpec((N2, N2), lambda b, j: (0, 0)),
        ],
        out_specs=[
            pl.BlockSpec((1, Fp, _DBLK), lambda b, j: (b, 0, j)),
            pl.BlockSpec((1, 2 * _K, _DBLK), lambda b, j: (b, 0, j)),
        ],
        out_shape=[
            jax.ShapeDtypeStruct((B, Fp, D), jnp.float32),
            jax.ShapeDtypeStruct((B, 2 * _K, D), jnp.float32),
        ],
    )(x4, w1re, w1im, twre, twim, w2re, w2im)

    idx8 = _topk_sc(amp2p, B, Fp, D, nyq)

    out = pl.pallas_call(
        functools.partial(_synth_kernel, N=N),
        grid=grid,
        in_specs=[
            pl.BlockSpec((1, 8, _DBLK), lambda b, j: (b, 0, j)),
            pl.BlockSpec((1, 2 * _K, _DBLK), lambda b, j: (b, 0, j)),
        ],
        out_specs=pl.BlockSpec((1, N, _DBLK), lambda b, j: (b, 0, j)),
        out_shape=jax.ShapeDtypeStruct((B, N, D), jnp.float32),
    )(idx8, vpack)
    return out

# --- scband reference (transcript-rebuilt; emitter-appended) ---
"""Pipeline reference for scband-frequency-attention-46720654245989 (READ-ONLY COPY).

The authoritative reference and input builder live on the scoring server;
editing this copy changes nothing except your own understanding.
"""

import jax, jax.numpy as jnp
import numpy as np

K = 4

def setup_inputs(seed: int = 0) -> dict:
    key = jax.random.key(seed)
    x = jax.random.normal(key, (4, 8192, 768), dtype=jnp.float32)
    return {"x": x}

def reference(x):
    # freqs = torch.fft.rfft(x, dim=1)
    freqs = jnp.fft.rfft(x, axis=1)  # [B, F, D] complex
    amp = jnp.abs(freqs)
    # topk along dim=1: transpose so freq axis is last
    amp_t = jnp.swapaxes(amp, 1, 2)  # [B, D, F]
    _, idx_t = jax.lax.top_k(amp_t, K)  # [B, D, K]
    idx = jnp.swapaxes(idx_t, 1, 2)  # [B, K, D]
    # torch scatter(1, index, src) semantics: out[b, index[b,j,d], d] = src[b, j, d]
    # with src = freqs (only first K rows along dim 1 are consumed)
    src = freqs[:, :K, :]  # [B, K, D]
    B = x.shape[0]
    D = x.shape[2]
    b = jnp.arange(B)[:, None, None]
    d = jnp.arange(D)[None, None, :]
    topk_freqs = jnp.zeros_like(freqs).at[b, idx, d].set(src)
    out = jnp.fft.irfft(topk_freqs, n=x.shape[1], axis=1)
    return out

if __name__ == "__main__":
    import jax
    _d = setup_inputs()
    print(jax.jit(kernel)(*tuple(_d.values())))

</pallas_src>

<mosaic_0001>
#map = affine_map<(d0, d1) -> (0, 0, 0)>
module attributes {stable_mosaic.version = 14 : i64} {
  func.func @k(%arg0: i32, %arg1: i32, %arg2: memref<4x4104x768xf32, #tpu.memory_space<hbm>>, %arg3: memref<4x8x768xi32, #tpu.memory_space<hbm>>, %arg4: memref<512x128xf32, #tpu.memory_space<vmem>>, %arg5: memref<8x128xf32, #tpu.memory_space<vmem>>, %arg6: memref<8x128xi32, #tpu.memory_space<vmem>>) attributes {dimension_semantics = [#tpu.dimension_semantics<core_parallel>, #tpu.dimension_semantics<subcore_parallel>], iteration_bounds = array<i64: 2, 16>, scalar_prefetch = 0 : i64, scratch_operands = 3 : i64, tpu.core_type = #tpu.core_type<sc_vector_subcore>, window_params = [{transform_indices = #map}, {transform_indices = #map}]} {
    %mul3A = arith.constant 16 : i32
    %mul3A_0 = arith.muli %arg0, %mul3A : i32
    %add3A = arith.addi %mul3A_0, %arg1 : i32
    %lt3A = arith.constant 24 : i32
    %lt3A_1 = arith.cmpi slt, %add3A, %lt3A : i32
    %convert_element_type3A = arith.extui %lt3A_1 : i1 to i32
    %cond3A = arith.constant 0 : i32
    %cond3A_2 = arith.cmpi ne, %convert_element_type3A, %cond3A : i32
    scf.if %cond3A_2 {
      %jit3A = arith.constant 6 : i32
      %div3A = arith.divsi %add3A, %jit3A : i32
      %sign3A = arith.constant 0 : i32
      %sign3A_3 = arith.cmpi sgt, %add3A, %sign3A : i32
      %sign3A_4 = arith.extui %sign3A_3 : i1 to i32
      %sign3A_5 = arith.constant 0 : i32
      %sign3A_6 = arith.cmpi slt, %add3A, %sign3A_5 : i32
      %sign3A_7 = arith.extui %sign3A_6 : i1 to i32
      %sign3A_8 = arith.subi %sign3A_4, %sign3A_7 : i32
      %sign3A_9 = arith.constant 0 : i32
      %sign3A_10 = arith.cmpi sgt, %jit3A, %sign3A_9 : i32
      %sign3A_11 = arith.extui %sign3A_10 : i1 to i32
      %sign3A_12 = arith.constant 0 : i32
      %sign3A_13 = arith.cmpi slt, %jit3A, %sign3A_12 : i32
      %sign3A_14 = arith.extui %sign3A_13 : i1 to i32
      %sign3A_15 = arith.subi %sign3A_11, %sign3A_14 : i32
      %ne3A = arith.cmpi ne, %sign3A_8, %sign3A_15 : i32
      %rem3A = arith.remsi %add3A, %jit3A : i32
      %ne3A_16 = arith.constant 0 : i32
      %ne3A_17 = arith.cmpi ne, %rem3A, %ne3A_16 : i32
      %and3A = arith.andi %ne3A, %ne3A_17 : i1
      %sub3A = arith.constant 1 : i32
      %sub3A_18 = arith.subi %div3A, %sub3A : i32
      %select_n3A = arith.select %and3A, %sub3A_18, %div3A : i32
      %jit3A_19 = arith.constant 6 : i32
      %eq3A = arith.constant 0 : i32
      %eq3A_20 = arith.cmpi eq, %jit3A_19, %eq3A : i32
      %jit3A_21 = arith.constant 1 : i32
      %select_n3A_22 = arith.select %eq3A_20, %jit3A_21, %jit3A_19 : i32
      %rem3A_23 = arith.remsi %add3A, %select_n3A_22 : i32
      %ne3A_24 = arith.constant 0 : i32
      %ne3A_25 = arith.cmpi ne, %rem3A_23, %ne3A_24 : i32
      %lt3A_26 = arith.constant 0 : i32
      %lt3A_27 = arith.cmpi slt, %rem3A_23, %lt3A_26 : i32
      %lt3A_28 = arith.constant 0 : i32
      %lt3A_29 = arith.cmpi slt, %select_n3A_22, %lt3A_28 : i32
      %ne3A_30 = arith.xori %lt3A_27, %lt3A_29 : i1
      %and3A_31 = arith.andi %ne3A_30, %ne3A_25 : i1
      %add3A_32 = arith.addi %rem3A_23, %select_n3A_22 : i32
      %select_n3A_33 = arith.select %and3A_31, %add3A_32, %rem3A_23 : i32
      %mul3A_34 = arith.constant 128 : i32
      %mul3A_35 = arith.muli %select_n3A_33, %mul3A_34 : i32
      %scan3A = arith.constant 0 : i32
      %scan3A_36 = arith.constant 0 : i32
      %scan3A_37 = arith.constant 8 : i32
      %scan3A_38 = arith.addi %scan3A_36, %scan3A_37 : i32
      %scan3A_39 = arith.constant 1 : i32
      scf.for %scan3A_41 = %scan3A_36 to %scan3A_38 step %scan3A_39  : i32 {
        %mul3A_42 = arith.constant 16 : i32
        %mul3A_43 = arith.muli %scan3A_41, %mul3A_42 : i32
        %broadcast_in_dim3A = arith.constant -2.000000e+00 : f32
        %broadcast_in_dim3A_44 = vector.broadcast %broadcast_in_dim3A : f32 to vector<16xf32>
        %broadcast_in_dim3A_45 = arith.constant 0 : i32
        %broadcast_in_dim3A_46 = vector.broadcast %broadcast_in_dim3A_45 : i32 to vector<16xi32>
        %scan3A_47 = arith.constant 0 : i32
        %scan3A_48 = arith.constant 8 : i32
        %scan3A_49 = arith.addi %scan3A_47, %scan3A_48 : i32
        %scan3A_50 = arith.constant 1 : i32
        %scan3A_51:8 = scf.for %scan3A_106 = %scan3A_47 to %scan3A_49 step %scan3A_50 iter_args(%scan3A_107 = %broadcast_in_dim3A_44, %scan3A_108 = %broadcast_in_dim3A_44, %scan3A_109 = %broadcast_in_dim3A_44, %scan3A_110 = %broadcast_in_dim3A_44, %scan3A_111 = %broadcast_in_dim3A_46, %scan3A_112 = %broadcast_in_dim3A_46, %scan3A_113 = %broadcast_in_dim3A_46, %scan3A_114 = %broadcast_in_dim3A_46) -> (vector<16xf32>, vector<16xf32>, vector<16xf32>, vector<16xf32>, vector<16xi32>, vector<16xi32>, vector<16xi32>, vector<16xi32>)  : i32 {
          %mul3A_115 = arith.constant 512 : i32
          %mul3A_116 = arith.muli %scan3A_106, %mul3A_115 : i32
          "tpu.region"() ({
            %run_scoped3A = tpu.sem_alloc : memref<!tpu.dma_semaphore, #tpu.memory_space<semaphore_mem>>
            %dma_start3A = tpu.memref_slice %arg2[%select_n3A, %mul3A_116, %mul3A_35] : memref<4x4104x768xf32, #tpu.memory_space<hbm>> -> memref<1x512x128xf32, #tpu.memory_space<hbm>>
            %dma_start3A_123 = tpu.memref_squeeze %dma_start3A : memref<1x512x128xf32, #tpu.memory_space<hbm>> -> memref<512x128xf32, #tpu.memory_space<hbm>>
            %dma_start3A_124 = tpu.memref_slice %arg2[%select_n3A, %mul3A_116, %mul3A_35] : memref<4x4104x768xf32, #tpu.memory_space<hbm>> -> memref<1x512x128xf32, #tpu.memory_space<hbm>>
            %dma_start3A_125 = tpu.memref_squeeze %dma_start3A_124 : memref<1x512x128xf32, #tpu.memory_space<hbm>> -> memref<512x128xf32, #tpu.memory_space<hbm>>
            tpu.enqueue_dma source(%dma_start3A_125 : memref<512x128xf32, #tpu.memory_space<hbm>>) target(%arg4 : memref<512x128xf32, #tpu.memory_space<vmem>>) target_semaphore(%run_scoped3A : memref<!tpu.dma_semaphore, #tpu.memory_space<semaphore_mem>>)
            %dma_wait3A = tpu.memref_slice %arg2[%select_n3A, %mul3A_116, %mul3A_35] : memref<4x4104x768xf32, #tpu.memory_space<hbm>> -> memref<1x512x128xf32, #tpu.memory_space<hbm>>
            %dma_wait3A_126 = tpu.memref_squeeze %dma_wait3A : memref<1x512x128xf32, #tpu.memory_space<hbm>> -> memref<512x128xf32, #tpu.memory_space<hbm>>
            %dma_wait3A_127 = tpu.memref_slice %arg2[%select_n3A, %mul3A_116, %mul3A_35] : memref<4x4104x768xf32, #tpu.memory_space<hbm>> -> memref<1x512x128xf32, #tpu.memory_space<hbm>>
            %dma_wait3A_128 = tpu.memref_squeeze %dma_wait3A_127 : memref<1x512x128xf32, #tpu.memory_space<hbm>> -> memref<512x128xf32, #tpu.memory_space<hbm>>
            tpu.wait_dma2 semaphore(%run_scoped3A : memref<!tpu.dma_semaphore, #tpu.memory_space<semaphore_mem>>) src(%dma_wait3A_128 : memref<512x128xf32, #tpu.memory_space<hbm>>) dst(%arg4 : memref<512x128xf32, #tpu.memory_space<vmem>>)
            tpu.yield
          }) : () -> ()
          %scan3A_117 = arith.constant 0 : i32
          %scan3A_118 = arith.constant 512 : i32
          %scan3A_119 = arith.addi %scan3A_117, %scan3A_118 : i32
          %scan3A_120 = arith.constant 1 : i32
          %scan3A_121:8 = scf.for %scan3A_123 = %scan3A_117 to %scan3A_119 step %scan3A_120 iter_args(%scan3A_124 = %scan3A_107, %scan3A_125 = %scan3A_108, %scan3A_126 = %scan3A_109, %scan3A_127 = %scan3A_110, %scan3A_128 = %scan3A_111, %scan3A_129 = %scan3A_112, %scan3A_130 = %scan3A_113, %scan3A_131 = %scan3A_114) -> (vector<16xf32>, vector<16xf32>, vector<16xf32>, vector<16xf32>, vector<16xi32>, vector<16xi32>, vector<16xi32>, vector<16xi32>)  : i32 {
            %mul3A_132 = arith.constant 512 : i32
            %mul3A_133 = arith.muli %scan3A_106, %mul3A_132 : i32
            %add3A_134 = arith.addi %mul3A_133, %scan3A_123 : i32
            %get3A = arith.index_cast %scan3A_123 : i32 to index
            %get3A_135 = arith.index_cast %mul3A_43 : i32 to index
            %get3A_136 = tpu.vector_load %arg4[%get3A, %get3A_135] {strides = array<i32>} : memref<512x128xf32, #tpu.memory_space<vmem>>, vector<1x16xf32>,
            %get3A_137 = vector.shape_cast %get3A_136 : vector<1x16xf32> to vector<16xf32>
            %broadcast_in_dim3A_138 = vector.broadcast %add3A_134 : i32 to vector<16xi32>
            %gt3A = arith.cmpf ogt, %get3A_137, %scan3A_124 : vector<16xf32>
            %gt3A_139 = arith.cmpf ogt, %get3A_137, %scan3A_125 : vector<16xf32>
            %gt3A_140 = arith.cmpf ogt, %get3A_137, %scan3A_126 : vector<16xf32>
            %gt3A_141 = arith.cmpf ogt, %get3A_137, %scan3A_127 : vector<16xf32>
            %select_n3A_142 = arith.select %gt3A_141, %get3A_137, %scan3A_127 : vector<16xi1>, vector<16xf32>
            %select_n3A_143 = arith.select %gt3A_140, %scan3A_126, %select_n3A_142 : vector<16xi1>, vector<16xf32>
            %select_n3A_144 = arith.select %gt3A_141, %broadcast_in_dim3A_138, %scan3A_131 : vector<16xi1>, vector<16xi32>
            %select_n3A_145 = arith.select %gt3A_140, %scan3A_130, %select_n3A_144 : vector<16xi1>, vector<16xi32>
            %select_n3A_146 = arith.select %gt3A_140, %get3A_137, %scan3A_126 : vector<16xi1>, vector<16xf32>
            %select_n3A_147 = arith.select %gt3A_139, %scan3A_125, %select_n3A_146 : vector<16xi1>, vector<16xf32>
            %select_n3A_148 = arith.select %gt3A_140, %broadcast_in_dim3A_138, %scan3A_130 : vector<16xi1>, vector<16xi32>
            %select_n3A_149 = arith.select %gt3A_139, %scan3A_129, %select_n3A_148 : vector<16xi1>, vector<16xi32>
            %select_n3A_150 = arith.select %gt3A_139, %get3A_137, %scan3A_125 : vector<16xi1>, vector<16xf32>
            %select_n3A_151 = arith.select %gt3A, %scan3A_124, %select_n3A_150 : vector<16xi1>, vector<16xf32>
            %select_n3A_152 = arith.select %gt3A_139, %broadcast_in_dim3A_138, %scan3A_129 : vector<16xi1>, vector<16xi32>
            %select_n3A_153 = arith.select %gt3A, %scan3A_128, %select_n3A_152 : vector<16xi1>, vector<16xi32>
            %select_n3A_154 = arith.select %gt3A, %get3A_137, %scan3A_124 : vector<16xi1>, vector<16xf32>
            %select_n3A_155 = arith.select %gt3A, %broadcast_in_dim3A_138, %scan3A_128 : vector<16xi1>, vector<16xi32>
            scf.yield %select_n3A_154, %select_n3A_151, %select_n3A_147, %select_n3A_143, %select_n3A_155, %select_n3A_153, %select_n3A_149, %select_n3A_145 : vector<16xf32>, vector<16xf32>, vector<16xf32>, vector<16xf32>, vector<16xi32>, vector<16xi32>, vector<16xi32>, vector<16xi32>
          }
          %scan3A_122 = arith.constant 512 : i32
          scf.yield %scan3A_121#0, %scan3A_121#1, %scan3A_121#2, %scan3A_121#3, %scan3A_121#4, %scan3A_121#5, %scan3A_121#6, %scan3A_121#7 : vector<16xf32>, vector<16xf32>, vector<16xf32>, vector<16xf32>, vector<16xi32>, vector<16xi32>, vector<16xi32>, vector<16xi32>
        }
        %scan3A_52 = arith.constant 8 : i32
        "tpu.region"() ({
          %run_scoped3A = tpu.sem_alloc : memref<!tpu.dma_semaphore, #tpu.memory_space<semaphore_mem>>
          %dma_start3A = arith.constant 4096 : i32
          %dma_start3A_106 = tpu.memref_slice %arg2[%select_n3A, %dma_start3A, %mul3A_35] : memref<4x4104x768xf32, #tpu.memory_space<hbm>> -> memref<1x8x128xf32, #tpu.memory_space<hbm>>
          %dma_start3A_107 = tpu.memref_squeeze %dma_start3A_106 : memref<1x8x128xf32, #tpu.memory_space<hbm>> -> memref<8x128xf32, #tpu.memory_space<hbm>>
          %dma_start3A_108 = arith.constant 4096 : i32
          %dma_start3A_109 = tpu.memref_slice %arg2[%select_n3A, %dma_start3A_108, %mul3A_35] : memref<4x4104x768xf32, #tpu.memory_space<hbm>> -> memref<1x8x128xf32, #tpu.memory_space<hbm>>
          %dma_start3A_110 = tpu.memref_squeeze %dma_start3A_109 : memref<1x8x128xf32, #tpu.memory_space<hbm>> -> memref<8x128xf32, #tpu.memory_space<hbm>>
          tpu.enqueue_dma source(%dma_start3A_110 : memref<8x128xf32, #tpu.memory_space<hbm>>) target(%arg5 : memref<8x128xf32, #tpu.memory_space<vmem>>) target_semaphore(%run_scoped3A : memref<!tpu.dma_semaphore, #tpu.memory_space<semaphore_mem>>)
          %dma_wait3A = arith.constant 4096 : i32
          %dma_wait3A_111 = tpu.memref_slice %arg2[%select_n3A, %dma_wait3A, %mul3A_35] : memref<4x4104x768xf32, #tpu.memory_space<hbm>> -> memref<1x8x128xf32, #tpu.memory_space<hbm>>
          %dma_wait3A_112 = tpu.memref_squeeze %dma_wait3A_111 : memref<1x8x128xf32, #tpu.memory_space<hbm>> -> memref<8x128xf32, #tpu.memory_space<hbm>>
          %dma_wait3A_113 = arith.constant 4096 : i32
          %dma_wait3A_114 = tpu.memref_slice %arg2[%select_n3A, %dma_wait3A_113, %mul3A_35] : memref<4x4104x768xf32, #tpu.memory_space<hbm>> -> memref<1x8x128xf32, #tpu.memory_space<hbm>>
          %dma_wait3A_115 = tpu.memref_squeeze %dma_wait3A_114 : memref<1x8x128xf32, #tpu.memory_space<hbm>> -> memref<8x128xf32, #tpu.memory_space<hbm>>
          tpu.wait_dma2 semaphore(%run_scoped3A : memref<!tpu.dma_semaphore, #tpu.memory_space<semaphore_mem>>) src(%dma_wait3A_115 : memref<8x128xf32, #tpu.memory_space<hbm>>) dst(%arg5 : memref<8x128xf32, #tpu.memory_space<vmem>>)
          tpu.yield
        }) : () -> ()
        %scan3A_53 = arith.constant 0 : i32
        %scan3A_54 = arith.constant 8 : i32
        %scan3A_55 = arith.addi %scan3A_53, %scan3A_54 : i32
        %scan3A_56 = arith.constant 1 : i32
        %scan3A_57:8 = scf.for %scan3A_106 = %scan3A_53 to %scan3A_55 step %scan3A_56 iter_args(%scan3A_107 = %scan3A_51#0, %scan3A_108 = %scan3A_51#1, %scan3A_109 = %scan3A_51#2, %scan3A_110 = %scan3A_51#3, %scan3A_111 = %scan3A_51#4, %scan3A_112 = %scan3A_51#5, %scan3A_113 = %scan3A_51#6, %scan3A_114 = %scan3A_51#7) -> (vector<16xf32>, vector<16xf32>, vector<16xf32>, vector<16xf32>, vector<16xi32>, vector<16xi32>, vector<16xi32>, vector<16xi32>)  : i32 {
          %add3A_115 = arith.constant 4096 : i32
          %add3A_116 = arith.addi %add3A_115, %scan3A_106 : i32
          %get3A = arith.index_cast %scan3A_106 : i32 to index
          %get3A_117 = arith.index_cast %mul3A_43 : i32 to index
          %get3A_118 = tpu.vector_load %arg5[%get3A, %get3A_117] {strides = array<i32>} : memref<8x128xf32, #tpu.memory_space<vmem>>, vector<1x16xf32>,
          %get3A_119 = vector.shape_cast %get3A_118 : vector<1x16xf32> to vector<16xf32>
          %broadcast_in_dim3A_120 = vector.broadcast %add3A_116 : i32 to vector<16xi32>
          %gt3A = arith.cmpf ogt, %get3A_119, %scan3A_107 : vector<16xf32>
          %gt3A_121 = arith.cmpf ogt, %get3A_119, %scan3A_108 : vector<16xf32>
          %gt3A_122 = arith.cmpf ogt, %get3A_119, %scan3A_109 : vector<16xf32>
          %gt3A_123 = arith.cmpf ogt, %get3A_119, %scan3A_110 : vector<16xf32>
          %select_n3A_124 = arith.select %gt3A_123, %get3A_119, %scan3A_110 : vector<16xi1>, vector<16xf32>
          %select_n3A_125 = arith.select %gt3A_122, %scan3A_109, %select_n3A_124 : vector<16xi1>, vector<16xf32>
          %select_n3A_126 = arith.select %gt3A_123, %broadcast_in_dim3A_120, %scan3A_114 : vector<16xi1>, vector<16xi32>
          %select_n3A_127 = arith.select %gt3A_122, %scan3A_113, %select_n3A_126 : vector<16xi1>, vector<16xi32>
          %select_n3A_128 = arith.select %gt3A_122, %get3A_119, %scan3A_109 : vector<16xi1>, vector<16xf32>
          %select_n3A_129 = arith.select %gt3A_121, %scan3A_108, %select_n3A_128 : vector<16xi1>, vector<16xf32>
          %select_n3A_130 = arith.select %gt3A_122, %broadcast_in_dim3A_120, %scan3A_113 : vector<16xi1>, vector<16xi32>
          %select_n3A_131 = arith.select %gt3A_121, %scan3A_112, %select_n3A_130 : vector<16xi1>, vector<16xi32>
          %select_n3A_132 = arith.select %gt3A_121, %get3A_119, %scan3A_108 : vector<16xi1>, vector<16xf32>
          %select_n3A_133 = arith.select %gt3A, %scan3A_107, %select_n3A_132 : vector<16xi1>, vector<16xf32>
          %select_n3A_134 = arith.select %gt3A_121, %broadcast_in_dim3A_120, %scan3A_112 : vector<16xi1>, vector<16xi32>
          %select_n3A_135 = arith.select %gt3A, %scan3A_111, %select_n3A_134 : vector<16xi1>, vector<16xi32>
          %select_n3A_136 = arith.select %gt3A, %get3A_119, %scan3A_107 : vector<16xi1>, vector<16xf32>
          %select_n3A_137 = arith.select %gt3A, %broadcast_in_dim3A_120, %scan3A_111 : vector<16xi1>, vector<16xi32>
          scf.yield %select_n3A_136, %select_n3A_133, %select_n3A_129, %select_n3A_125, %select_n3A_137, %select_n3A_135, %select_n3A_131, %select_n3A_127 : vector<16xf32>, vector<16xf32>, vector<16xf32>, vector<16xf32>, vector<16xi32>, vector<16xi32>, vector<16xi32>, vector<16xi32>
        }
        %scan3A_58 = arith.constant 8 : i32
        %swap3A = arith.constant 0 : i32
        %swap3A_59 = arith.index_cast %swap3A : i32 to index
        %swap3A_60 = arith.index_cast %mul3A_43 : i32 to index
        %swap3A_61 = tpu.vector_load %arg6[%swap3A_59, %swap3A_60] {strides = array<i32>} : memref<8x128xi32, #tpu.memory_space<vmem>>, vector<1x16xi32>,
        %swap3A_62 = vector.shape_cast %swap3A_61 : vector<1x16xi32> to vector<16xi32>
        %swap3A_63 = vector.shape_cast %scan3A_57#4 : vector<16xi32> to vector<1x16xi32>
        tpu.vector_store %arg6[%swap3A_59, %swap3A_60], %swap3A_63 {strides = array<i32>} : memref<8x128xi32, #tpu.memory_space<vmem>>, vector<1x16xi32>,
        %swap3A_64 = arith.constant 1 : i32
        %swap3A_65 = arith.index_cast %swap3A_64 : i32 to index
        %swap3A_66 = arith.index_cast %mul3A_43 : i32 to index
        %swap3A_67 = tpu.vector_load %arg6[%swap3A_65, %swap3A_66] {strides = array<i32>} : memref<8x128xi32, #tpu.memory_space<vmem>>, vector<1x16xi32>,
        %swap3A_68 = vector.shape_cast %swap3A_67 : vector<1x16xi32> to vector<16xi32>
        %swap3A_69 = vector.shape_cast %scan3A_57#5 : vector<16xi32> to vector<1x16xi32>
        tpu.vector_store %arg6[%swap3A_65, %swap3A_66], %swap3A_69 {strides = array<i32>} : memref<8x128xi32, #tpu.memory_space<vmem>>, vector<1x16xi32>,
        %swap3A_70 = arith.constant 2 : i32
        %swap3A_71 = arith.index_cast %swap3A_70 : i32 to index
        %swap3A_72 = arith.index_cast %mul3A_43 : i32 to index
        %swap3A_73 = tpu.vector_load %arg6[%swap3A_71, %swap3A_72] {strides = array<i32>} : memref<8x128xi32, #tpu.memory_space<vmem>>, vector<1x16xi32>,
        %swap3A_74 = vector.shape_cast %swap3A_73 : vector<1x16xi32> to vector<16xi32>
        %swap3A_75 = vector.shape_cast %scan3A_57#6 : vector<16xi32> to vector<1x16xi32>
        tpu.vector_store %arg6[%swap3A_71, %swap3A_72], %swap3A_75 {strides = array<i32>} : memref<8x128xi32, #tpu.memory_space<vmem>>, vector<1x16xi32>,
        %swap3A_76 = arith.constant 3 : i32
        %swap3A_77 = arith.index_cast %swap3A_76 : i32 to index
        %swap3A_78 = arith.index_cast %mul3A_43 : i32 to index
        %swap3A_79 = tpu.vector_load %arg6[%swap3A_77, %swap3A_78] {strides = array<i32>} : memref<8x128xi32, #tpu.memory_space<vmem>>, vector<1x16xi32>,
        %swap3A_80 = vector.shape_cast %swap3A_79 : vector<1x16xi32> to vector<16xi32>
        %swap3A_81 = vector.shape_cast %scan3A_57#7 : vector<16xi32> to vector<1x16xi32>
        tpu.vector_store %arg6[%swap3A_77, %swap3A_78], %swap3A_81 {strides = array<i32>} : memref<8x128xi32, #tpu.memory_space<vmem>>, vector<1x16xi32>,
        %swap3A_82 = arith.constant 4 : i32
        %swap3A_83 = arith.index_cast %swap3A_82 : i32 to index
        %swap3A_84 = arith.index_cast %mul3A_43 : i32 to index
        %swap3A_85 = tpu.vector_load %arg6[%swap3A_83, %swap3A_84] {strides = array<i32>} : memref<8x128xi32, #tpu.memory_space<vmem>>, vector<1x16xi32>,
        %swap3A_86 = vector.shape_cast %swap3A_85 : vector<1x16xi32> to vector<16xi32>
        %swap3A_87 = vector.shape_cast %broadcast_in_dim3A_46 : vector<16xi32> to vector<1x16xi32>
        tpu.vector_store %arg6[%swap3A_83, %swap3A_84], %swap3A_87 {strides = array<i32>} : memref<8x128xi32, #tpu.memory_space<vmem>>, vector<1x16xi32>,
        %swap3A_88 = arith.constant 5 : i32
        %swap3A_89 = arith.index_cast %swap3A_88 : i32 to index
        %swap3A_90 = arith.index_cast %mul3A_43 : i32 to index
        %swap3A_91 = tpu.vector_load %arg6[%swap3A_89, %swap3A_90] {strides = array<i32>} : memref<8x128xi32, #tpu.memory_space<vmem>>, vector<1x16xi32>,
        %swap3A_92 = vector.shape_cast %swap3A_91 : vector<1x16xi32> to vector<16xi32>
        %swap3A_93 = vector.shape_cast %broadcast_in_dim3A_46 : vector<16xi32> to vector<1x16xi32>
        tpu.vector_store %arg6[%swap3A_89, %swap3A_90], %swap3A_93 {strides = array<i32>} : memref<8x128xi32, #tpu.memory_space<vmem>>, vector<1x16xi32>,
        %swap3A_94 = arith.constant 6 : i32
        %swap3A_95 = arith.index_cast %swap3A_94 : i32 to index
        %swap3A_96 = arith.index_cast %mul3A_43 : i32 to index
        %swap3A_97 = tpu.vector_load %arg6[%swap3A_95, %swap3A_96] {strides = array<i32>} : memref<8x128xi32, #tpu.memory_space<vmem>>, vector<1x16xi32>,
        %swap3A_98 = vector.shape_cast %swap3A_97 : vector<1x16xi32> to vector<16xi32>
        %swap3A_99 = vector.shape_cast %broadcast_in_dim3A_46 : vector<16xi32> to vector<1x16xi32>
        tpu.vector_store %arg6[%swap3A_95, %swap3A_96], %swap3A_99 {strides = array<i32>} : memref<8x128xi32, #tpu.memory_space<vmem>>, vector<1x16xi32>,
        %swap3A_100 = arith.constant 7 : i32
        %swap3A_101 = arith.index_cast %swap3A_100 : i32 to index
        %swap3A_102 = arith.index_cast %mul3A_43 : i32 to index
        %swap3A_103 = tpu.vector_load %arg6[%swap3A_101, %swap3A_102] {strides = array<i32>} : memref<8x128xi32, #tpu.memory_space<vmem>>, vector<1x16xi32>,
        %swap3A_104 = vector.shape_cast %swap3A_103 : vector<1x16xi32> to vector<16xi32>
        %swap3A_105 = vector.shape_cast %broadcast_in_dim3A_46 : vector<16xi32> to vector<1x16xi32>
        tpu.vector_store %arg6[%swap3A_101, %swap3A_102], %swap3A_105 {strides = array<i32>} : memref<8x128xi32, #tpu.memory_space<vmem>>, vector<1x16xi32>,
      }
      %scan3A_40 = arith.constant 8 : i32
      "tpu.region"() ({
        %run_scoped3A = tpu.sem_alloc : memref<!tpu.dma_semaphore, #tpu.memory_space<semaphore_mem>>
        %dma_start3A = arith.constant 0 : i32
        %dma_start3A_41 = tpu.memref_slice %arg3[%select_n3A, %dma_start3A, %mul3A_35] : memref<4x8x768xi32, #tpu.memory_space<hbm>> -> memref<1x8x128xi32, #tpu.memory_space<hbm>>
        %dma_start3A_42 = tpu.memref_squeeze %dma_start3A_41 : memref<1x8x128xi32, #tpu.memory_space<hbm>> -> memref<8x128xi32, #tpu.memory_space<hbm>>
        %dma_start3A_43 = arith.constant 0 : i32
        %dma_start3A_44 = tpu.memref_slice %arg3[%select_n3A, %dma_start3A_43, %mul3A_35] : memref<4x8x768xi32, #tpu.memory_space<hbm>> -> memref<1x8x128xi32, #tpu.memory_space<hbm>>
        %dma_start3A_45 = tpu.memref_squeeze %dma_start3A_44 : memref<1x8x128xi32, #tpu.memory_space<hbm>> -> memref<8x128xi32, #tpu.memory_space<hbm>>
        tpu.enqueue_dma source(%arg6 : memref<8x128xi32, #tpu.memory_space<vmem>>) target(%dma_start3A_45 : memref<8x128xi32, #tpu.memory_space<hbm>>) target_semaphore(%run_scoped3A : memref<!tpu.dma_semaphore, #tpu.memory_space<semaphore_mem>>)
        %dma_wait3A = arith.constant 0 : i32
        %dma_wait3A_46 = tpu.memref_slice %arg3[%select_n3A, %dma_wait3A, %mul3A_35] : memref<4x8x768xi32, #tpu.memory_space<hbm>> -> memref<1x8x128xi32, #tpu.memory_space<hbm>>
        %dma_wait3A_47 = tpu.memref_squeeze %dma_wait3A_46 : memref<1x8x128xi32, #tpu.memory_space<hbm>> -> memref<8x128xi32, #tpu.memory_space<hbm>>
        %dma_wait3A_48 = arith.constant 0 : i32
        %dma_wait3A_49 = tpu.memref_slice %arg3[%select_n3A, %dma_wait3A_48, %mul3A_35] : memref<4x8x768xi32, #tpu.memory_space<hbm>> -> memref<1x8x128xi32, #tpu.memory_space<hbm>>
        %dma_wait3A_50 = tpu.memref_squeeze %dma_wait3A_49 : memref<1x8x128xi32, #tpu.memory_space<hbm>> -> memref<8x128xi32, #tpu.memory_space<hbm>>
        tpu.wait_dma2 semaphore(%run_scoped3A : memref<!tpu.dma_semaphore, #tpu.memory_space<semaphore_mem>>) src(%arg6 : memref<8x128xi32, #tpu.memory_space<vmem>>) dst(%dma_wait3A_50 : memref<8x128xi32, #tpu.memory_space<hbm>>)
        tpu.yield
      }) : () -> ()
    } else {
    }
    return
  }
}

module attributes {stable_mosaic.version = 14 : i64} {
  func.func @_synth_kernel(%arg0: i32, %arg1: i32, %arg2: memref<1x8x128xi32, #tpu.memory_space<vmem>>, %arg3: memref<1x8x128xf32, #tpu.memory_space<vmem>>, %arg4: memref<1x8192x128xf32, #tpu.memory_space<vmem>>) attributes {dimension_semantics = [#tpu.dimension_semantics<arbitrary>, #tpu.dimension_semantics<arbitrary>], iteration_bounds = array<i64: 4, 6>, scalar_prefetch = 0 : i64, scratch_operands = 0 : i64, tpu.core_type = #tpu.core_type<tc>, window_params = [{transform_indices = @transform_0, window_bounds = array<i64: 1, 8, 128>}, {transform_indices = @transform_1, window_bounds = array<i64: 1, 8, 128>}, {transform_indices = @transform_2, window_bounds = array<i64: 1, 8192, 128>}]} {
    %get3A = arith.constant 0 : index
    %get3A_0 = arith.constant 0 : index
    %get3A_1 = arith.constant 0 : index
    %get3A_2 = vector.load %arg2[%get3A, %get3A_0, %get3A_1] : memref<1x8x128xi32, #tpu.memory_space<vmem>>, vector<1x4x128xi32>
    %get3A_3 = vector.shape_cast %get3A_2 : vector<1x4x128xi32> to vector<4x128xi32>
    %get3A_4 = arith.constant 0 : index
    %get3A_5 = arith.constant 0 : index
    %get3A_6 = arith.constant 0 : index
    %get3A_7 = vector.load %arg3[%get3A_4, %get3A_5, %get3A_6] : memref<1x8x128xf32, #tpu.memory_space<vmem>>, vector<1x4x128xf32>
    %get3A_8 = vector.shape_cast %get3A_7 : vector<1x4x128xf32> to vector<4x128xf32>
    %get3A_9 = arith.constant 0 : index
    %get3A_10 = arith.constant 4 : index
    %get3A_11 = arith.constant 0 : index
    %get3A_12 = vector.load %arg3[%get3A_9, %get3A_10, %get3A_11] : memref<1x8x128xf32, #tpu.memory_space<vmem>>, vector<1x4x128xf32>
    %get3A_13 = vector.shape_cast %get3A_12 : vector<1x4x128xf32> to vector<4x128xf32>
    %eq3A = arith.constant 0 : i32
    %eq3A_14 = vector.broadcast %eq3A : i32 to vector<4x128xi32>
    %eq3A_15 = arith.cmpi eq, %get3A_3, %eq3A_14 : vector<4x128xi32>
    %eq3A_16 = arith.constant 4096 : i32
    %eq3A_17 = vector.broadcast %eq3A_16 : i32 to vector<4x128xi32>
    %eq3A_18 = arith.cmpi eq, %get3A_3, %eq3A_17 : vector<4x128xi32>
    %or3A = arith.ori %eq3A_15, %eq3A_18 : vector<4x128xi1>
    %jit3A = arith.constant 1.000000e+00 : f32
    %jit3A_19 = arith.constant 2.000000e+00 : f32
    %broadcast_in_dim3A = vector.broadcast %jit3A : f32 to vector<4x128xf32>
    %broadcast_in_dim3A_20 = vector.broadcast %jit3A_19 : f32 to vector<4x128xf32>
    %select_n3A = arith.select %or3A, %broadcast_in_dim3A, %broadcast_in_dim3A_20 : vector<4x128xi1>, vector<4x128xf32>
    %div3A = arith.constant 8.192000e+03 : f32
    %div3A_21 = vector.broadcast %div3A : f32 to vector<4x128xf32>
    %div3A_22 = arith.divf %select_n3A, %div3A_21 : vector<4x128xf32>
    %gt3A = arith.constant 0 : i32
    %gt3A_23 = vector.broadcast %gt3A : i32 to vector<4x128xi32>
    %gt3A_24 = arith.cmpi sgt, %get3A_3, %gt3A_23 : vector<4x128xi32>
    %le3A = arith.constant 1536 : i32
    %le3A_25 = vector.broadcast %le3A : i32 to vector<4x128xi32>
    %le3A_26 = arith.cmpi sle, %get3A_3, %le3A_25 : vector<4x128xi32>
    %and3A = arith.andi %gt3A_24, %le3A_26 : vector<4x128xi1>
    %mul3A = arith.constant 5.000000e-01 : f32
    %mul3A_27 = vector.broadcast %mul3A : f32 to vector<4x128xf32>
    %mul3A_28 = arith.mulf %mul3A_27, %get3A_13 : vector<4x128xf32>
    %select_n3A_29 = arith.select %and3A, %mul3A_28, %get3A_13 : vector<4x128xi1>, vector<4x128xf32>
    %mul3A_30 = arith.mulf %div3A_22, %get3A_8 : vector<4x128xf32>
    %neg3A = arith.constant 0.000000e+00 : f32
    %neg3A_31 = vector.broadcast %neg3A : f32 to vector<4x128xf32>
    %neg3A_32 = arith.subf %neg3A_31, %div3A_22 : vector<4x128xf32>
    %mul3A_33 = arith.mulf %neg3A_32, %select_n3A_29 : vector<4x128xf32>
    %ge3A = arith.constant 2560 : i32
    %ge3A_34 = vector.broadcast %ge3A : i32 to vector<4x128xi32>
    %ge3A_35 = arith.cmpi sge, %get3A_3, %ge3A_34 : vector<4x128xi32>
    %lt3A = arith.constant 4096 : i32
    %lt3A_36 = vector.broadcast %lt3A : i32 to vector<4x128xi32>
    %lt3A_37 = arith.cmpi slt, %get3A_3, %lt3A_36 : vector<4x128xi32>
    %and3A_38 = arith.andi %ge3A_35, %lt3A_37 : vector<4x128xi1>
    %mul3A_39 = arith.constant 5.000000e-01 : f32
    %mul3A_40 = vector.broadcast %mul3A_39 : f32 to vector<4x128xf32>
    %mul3A_41 = arith.mulf %mul3A_40, %div3A_22 : vector<4x128xf32>
    %mul3A_42 = arith.mulf %mul3A_41, %get3A_13 : vector<4x128xf32>
    %jit3A_43 = arith.constant 0.000000e+00 : f32
    %broadcast_in_dim3A_44 = vector.broadcast %jit3A_43 : f32 to vector<4x128xf32>
    %select_n3A_45 = arith.select %and3A_38, %mul3A_42, %broadcast_in_dim3A_44 : vector<4x128xi1>, vector<4x128xf32>
    %sub3A = arith.constant 4096 : i32
    %sub3A_46 = vector.broadcast %sub3A : i32 to vector<4x128xi32>
    %sub3A_47 = arith.subi %sub3A_46, %get3A_3 : vector<4x128xi32>
    %iota3A = tpu.iota {dimensions = array<i32: 0>} : vector<8192x128xi32>
    %iota3A_48 = tpu.iota {dimensions = array<i32: 0>} : vector<4x128xi32>
    %broadcast_in_dim3A_49 = arith.constant 0.000000e+00 : f32
    %broadcast_in_dim3A_50 = vector.broadcast %broadcast_in_dim3A_49 : f32 to vector<8192x128xf32>
    %swap3A = arith.constant 0 : index
    %swap3A_51 = arith.constant 0 : index
    %swap3A_52 = arith.constant 0 : index
    %swap3A_53 = vector.load %arg4[%swap3A, %swap3A_51, %swap3A_52] : memref<1x8192x128xf32, #tpu.memory_space<vmem>>, vector<1x8192x128xf32>
    %swap3A_54 = vector.shape_cast %swap3A_53 : vector<1x8192x128xf32> to vector<8192x128xf32>
    %swap3A_55 = vector.shape_cast %broadcast_in_dim3A_50 : vector<8192x128xf32> to vector<1x8192x128xf32>
    tpu.vector_store %arg4[%swap3A, %swap3A_51, %swap3A_52], %swap3A_55 {strides = array<i32>} : memref<1x8192x128xf32, #tpu.memory_space<vmem>>, vector<1x8192x128xf32>,
    %scan3A = arith.constant 0 : i32
    %scan3A_56 = arith.constant 4 : i32
    %scan3A_57 = arith.addi %scan3A, %scan3A_56 : i32
    %scan3A_58 = arith.constant 1 : i32
    scf.for %scan3A_60 = %scan3A to %scan3A_57 step %scan3A_58  : i32 {
      %eq3A_61 = vector.broadcast %scan3A_60 : i32 to vector<4x128xi32>
      %eq3A_62 = arith.cmpi eq, %iota3A_48, %eq3A_61 : vector<4x128xi32>
      %jit3A_63 = arith.constant 0 : i32
      %broadcast_in_dim3A_64 = vector.broadcast %jit3A_63 : i32 to vector<4x128xi32>
      %select_n3A_65 = arith.select %eq3A_62, %get3A_3, %broadcast_in_dim3A_64 : vector<4x128xi1>, vector<4x128xi32>
      %reduce_sum3A = arith.constant dense<0> : vector<128xi32>
      %reduce_sum3A_66 = vector.multi_reduction <add>, %select_n3A_65, %reduce_sum3A [0] : vector<4x128xi32> to vector<128xi32>
      %broadcast_in_dim3A_67 = vector.shape_cast %reduce_sum3A_66 : vector<128xi32> to vector<1x128xi32>
      %jit3A_68 = arith.constant 0.000000e+00 : f32
      %broadcast_in_dim3A_69 = vector.broadcast %jit3A_68 : f32 to vector<4x128xf32>
      %select_n3A_70 = arith.select %eq3A_62, %mul3A_30, %broadcast_in_dim3A_69 : vector<4x128xi1>, vector<4x128xf32>
      %reduce_sum3A_71 = arith.constant dense<0.000000e+00> : vector<128xf32>
      %reduce_sum3A_72 = vector.multi_reduction <add>, %select_n3A_70, %reduce_sum3A_71 [0] : vector<4x128xf32> to vector<128xf32>
      %broadcast_in_dim3A_73 = vector.shape_cast %reduce_sum3A_72 : vector<128xf32> to vector<1x128xf32>
      %jit3A_74 = arith.constant 0.000000e+00 : f32
      %broadcast_in_dim3A_75 = vector.broadcast %jit3A_74 : f32 to vector<4x128xf32>
      %select_n3A_76 = arith.select %eq3A_62, %mul3A_33, %broadcast_in_dim3A_75 : vector<4x128xi1>, vector<4x128xf32>
      %reduce_sum3A_77 = arith.constant dense<0.000000e+00> : vector<128xf32>
      %reduce_sum3A_78 = vector.multi_reduction <add>, %select_n3A_76, %reduce_sum3A_77 [0] : vector<4x128xf32> to vector<128xf32>
      %broadcast_in_dim3A_79 = vector.shape_cast %reduce_sum3A_78 : vector<128xf32> to vector<1x128xf32>
      %jit3A_80 = arith.constant 0.000000e+00 : f32
      %broadcast_in_dim3A_81 = vector.broadcast %jit3A_80 : f32 to vector<4x128xf32>
      %select_n3A_82 = arith.select %eq3A_62, %select_n3A_45, %broadcast_in_dim3A_81 : vector<4x128xi1>, vector<4x128xf32>
      %reduce_sum3A_83 = arith.constant dense<0.000000e+00> : vector<128xf32>
      %reduce_sum3A_84 = vector.multi_reduction <add>, %select_n3A_82, %reduce_sum3A_83 [0] : vector<4x128xf32> to vector<128xf32>
      %broadcast_in_dim3A_85 = vector.shape_cast %reduce_sum3A_84 : vector<128xf32> to vector<1x128xf32>
      %jit3A_86 = arith.constant 0 : i32
      %broadcast_in_dim3A_87 = vector.broadcast %jit3A_86 : i32 to vector<4x128xi32>
      %select_n3A_88 = arith.select %eq3A_62, %sub3A_47, %broadcast_in_dim3A_87 : vector<4x128xi1>, vector<4x128xi32>
      %reduce_sum3A_89 = arith.constant dense<0> : vector<128xi32>
      %reduce_sum3A_90 = vector.multi_reduction <add>, %select_n3A_88, %reduce_sum3A_89 [0] : vector<4x128xi32> to vector<128xi32>
      %broadcast_in_dim3A_91 = vector.shape_cast %reduce_sum3A_90 : vector<128xi32> to vector<1x128xi32>
      %mul3A_92 = vector.broadcast %broadcast_in_dim3A_67 : vector<1x128xi32> to vector<8192x128xi32>
      %mul3A_93 = arith.muli %iota3A, %mul3A_92 : vector<8192x128xi32>
      %and3A_94 = arith.constant 8191 : i32
      %and3A_95 = vector.broadcast %and3A_94 : i32 to vector<8192x128xi32>
      %and3A_96 = arith.andi %mul3A_93, %and3A_95 : vector<8192x128xi32>
      %convert_element_type3A = arith.sitofp %and3A_96 : vector<8192x128xi32> to vector<8192x128xf32>
      %mul3A_97 = arith.constant 7.66990415E-4 : f32
      %mul3A_98 = vector.broadcast %mul3A_97 : f32 to vector<8192x128xf32>
      %mul3A_99 = arith.mulf %convert_element_type3A, %mul3A_98 : vector<8192x128xf32>
      %mul3A_100 = vector.broadcast %broadcast_in_dim3A_91 : vector<1x128xi32> to vector<8192x128xi32>
      %mul3A_101 = arith.muli %iota3A, %mul3A_100 : vector<8192x128xi32>
      %and3A_102 = arith.constant 8191 : i32
      %and3A_103 = vector.broadcast %and3A_102 : i32 to vector<8192x128xi32>
      %and3A_104 = arith.andi %mul3A_101, %and3A_103 : vector<8192x128xi32>
      %convert_element_type3A_105 = arith.sitofp %and3A_104 : vector<8192x128xi32> to vector<8192x128xf32>
      %mul3A_106 = arith.constant 7.66990415E-4 : f32
      %mul3A_107 = vector.broadcast %mul3A_106 : f32 to vector<8192x128xf32>
      %mul3A_108 = arith.mulf %convert_element_type3A_105, %mul3A_107 : vector<8192x128xf32>
      %get3A_109 = arith.constant 0 : index
      %get3A_110 = arith.constant 0 : index
      %get3A_111 = arith.constant 0 : index
      %get3A_112 = vector.load %arg4[%get3A_109, %get3A_110, %get3A_111] : memref<1x8192x128xf32, #tpu.memory_space<vmem>>, vector<1x8192x128xf32>
      %get3A_113 = vector.shape_cast %get3A_112 : vector<1x8192x128xf32> to vector<8192x128xf32>
      %cos3A = math.cos %mul3A_99 : vector<8192x128xf32>
      %mul3A_114 = vector.broadcast %broadcast_in_dim3A_73 : vector<1x128xf32> to vector<8192x128xf32>
      %mul3A_115 = arith.mulf %mul3A_114, %cos3A : vector<8192x128xf32>
      %sin3A = math.sin %mul3A_99 : vector<8192x128xf32>
      %mul3A_116 = vector.broadcast %broadcast_in_dim3A_79 : vector<1x128xf32> to vector<8192x128xf32>
      %mul3A_117 = arith.mulf %mul3A_116, %sin3A : vector<8192x128xf32>
      %add3A = arith.addf %mul3A_115, %mul3A_117 : vector<8192x128xf32>
      %sin3A_118 = math.sin %mul3A_108 : vector<8192x128xf32>
      %mul3A_119 = vector.broadcast %broadcast_in_dim3A_85 : vector<1x128xf32> to vector<8192x128xf32>
      %mul3A_120 = arith.mulf %mul3A_119, %sin3A_118 : vector<8192x128xf32>
      %add3A_121 = arith.addf %add3A, %mul3A_120 : vector<8192x128xf32>
      %add3A_122 = arith.addf %get3A_113, %add3A_121 : vector<8192x128xf32>
      %swap3A_123 = arith.constant 0 : index
      %swap3A_124 = arith.constant 0 : index
      %swap3A_125 = arith.constant 0 : index
      %swap3A_126 = vector.load %arg4[%swap3A_123, %swap3A_124, %swap3A_125] : memref<1x8192x128xf32, #tpu.memory_space<vmem>>, vector<1x8192x128xf32>
      %swap3A_127 = vector.shape_cast %swap3A_126 : vector<1x8192x128xf32> to vector<8192x128xf32>
      %swap3A_128 = vector.shape_cast %add3A_122 : vector<8192x128xf32> to vector<1x8192x128xf32>
      tpu.vector_store %arg4[%swap3A_123, %swap3A_124, %swap3A_125], %swap3A_128 {strides = array<i32>} : memref<1x8192x128xf32, #tpu.memory_space<vmem>>, vector<1x8192x128xf32>,
    }
    %scan3A_59 = arith.constant 4 : i32
    return
  }
  func.func @transform_0(%arg0: i32, %arg1: i32) -> (i32, i32, i32) {
    %c0_i32 = arith.constant 0 : i32
    %c0_i32_0 = arith.constant 0 : i32
    return %arg0, %c0_i32, %arg1 : i32, i32, i32
  }
  func.func @transform_1(%arg0: i32, %arg1: i32) -> (i32, i32, i32) {
    %c0_i32 = arith.constant 0 : i32
    %c0_i32_0 = arith.constant 0 : i32
    return %arg0, %c0_i32, %arg1 : i32, i32, i32
  }
  func.func @transform_2(%arg0: i32, %arg1: i32) -> (i32, i32, i32) {
    %c0_i32 = arith.constant 0 : i32
    %c0_i32_0 = arith.constant 0 : i32
    return %arg0, %c0_i32, %arg1 : i32, i32, i32
  }
}

module attributes {stable_mosaic.version = 14 : i64} {
  func.func @_dft_kernel(%arg0: i32, %arg1: i32, %arg2: memref<1x128x64x128xf32, #tpu.memory_space<vmem>>, %arg3: memref<128x128xf32, #tpu.memory_space<vmem>>, %arg4: memref<128x128xf32, #tpu.memory_space<vmem>>, %arg5: memref<128x8192xf32, #tpu.memory_space<vmem>>, %arg6: memref<128x8192xf32, #tpu.memory_space<vmem>>, %arg7: memref<64x64xf32, #tpu.memory_space<vmem>>, %arg8: memref<64x64xf32, #tpu.memory_space<vmem>>, %arg9: memref<1x4104x128xf32, #tpu.memory_space<vmem>>, %arg10: memref<1x8x128xf32, #tpu.memory_space<vmem>>) attributes {dimension_semantics = [#tpu.dimension_semantics<arbitrary>, #tpu.dimension_semantics<arbitrary>], iteration_bounds = array<i64: 4, 6>, scalar_prefetch = 0 : i64, scratch_operands = 0 : i64, tpu.core_type = #tpu.core_type<tc>, window_params = [{transform_indices = @transform_0, window_bounds = array<i64: 1, 128, 64, 128>}, {pipeline_mode = #tpu.pipeline_mode<synchronous>, transform_indices = @transform_1, window_bounds = array<i64: 128, 128>}, {pipeline_mode = #tpu.pipeline_mode<synchronous>, transform_indices = @transform_2, window_bounds = array<i64: 128, 128>}, {pipeline_mode = #tpu.pipeline_mode<synchronous>, transform_indices = @transform_3, window_bounds = array<i64: 128, 8192>}, {pipeline_mode = #tpu.pipeline_mode<synchronous>, transform_indices = @transform_4, window_bounds = array<i64: 128, 8192>}, {pipeline_mode = #tpu.pipeline_mode<synchronous>, transform_indices = @transform_5, window_bounds = array<i64: 64, 64>}, {pipeline_mode = #tpu.pipeline_mode<synchronous>, transform_indices = @transform_6, window_bounds = array<i64: 64, 64>}, {transform_indices = @transform_7, window_bounds = array<i64: 1, 4104, 128>}, {transform_indices = @transform_8, window_bounds = array<i64: 1, 8, 128>}]} {
    %get3A = arith.constant 0 : index
    %get3A_0 = arith.constant 0 : index
    %get3A_1 = arith.constant 0 : index
    %get3A_2 = arith.constant 0 : index
    %get3A_3 = vector.load %arg2[%get3A, %get3A_0, %get3A_1, %get3A_2] : memref<1x128x64x128xf32, #tpu.memory_space<vmem>>, vector<1x128x64x128xf32>
    %get3A_4 = vector.shape_cast %get3A_3 : vector<1x128x64x128xf32> to vector<128x64x128xf32>
    %reshape3A = vector.shape_cast %get3A_4 : vector<128x64x128xf32> to vector<128x8192xf32>
    %get3A_5 = arith.constant 0 : index
    %get3A_6 = arith.constant 0 : index
    %get3A_7 = vector.load %arg3[%get3A_5, %get3A_6] : memref<128x128xf32, #tpu.memory_space<vmem>>, vector<128x128xf32>
    %dot_general3A = arith.constant dense<0.000000e+00> : vector<128x8192xf32>
    %dot_general3A_8 = tpu.matmul %get3A_7, %reshape3A, %dot_general3A {dimension_numbers = #tpu.dot_dimension_numbers<[1], [0], [0], [1], [0, 0, 1, 1], [], []>, precision = #tpu.contract_precision<fp32>, transpose_lhs_hint = false} : vector<128x128xf32>, vector<128x8192xf32>, vector<128x8192xf32> -> vector<128x8192xf32>
    %get3A_9 = arith.constant 0 : index
    %get3A_10 = arith.constant 0 : index
    %get3A_11 = vector.load %arg4[%get3A_9, %get3A_10] : memref<128x128xf32, #tpu.memory_space<vmem>>, vector<128x128xf32>
    %dot_general3A_12 = arith.constant dense<0.000000e+00> : vector<128x8192xf32>
    %dot_general3A_13 = tpu.matmul %get3A_11, %reshape3A, %dot_general3A_12 {dimension_numbers = #tpu.dot_dimension_numbers<[1], [0], [0], [1], [0, 0, 1, 1], [], []>, precision = #tpu.contract_precision<fp32>, transpose_lhs_hint = false} : vector<128x128xf32>, vector<128x8192xf32>, vector<128x8192xf32> -> vector<128x8192xf32>
    %get3A_14 = arith.constant 0 : index
    %get3A_15 = arith.constant 0 : index
    %get3A_16 = vector.load %arg5[%get3A_14, %get3A_15] : memref<128x8192xf32, #tpu.memory_space<vmem>>, vector<128x8192xf32>
    %get3A_17 = arith.constant 0 : index
    %get3A_18 = arith.constant 0 : index
    %get3A_19 = vector.load %arg6[%get3A_17, %get3A_18] : memref<128x8192xf32, #tpu.memory_space<vmem>>, vector<128x8192xf32>
    %mul3A = arith.mulf %dot_general3A_8, %get3A_16 : vector<128x8192xf32>
    %mul3A_20 = arith.mulf %dot_general3A_13, %get3A_19 : vector<128x8192xf32>
    %sub3A = arith.subf %mul3A, %mul3A_20 : vector<128x8192xf32>
    %mul3A_21 = arith.mulf %dot_general3A_8, %get3A_19 : vector<128x8192xf32>
    %mul3A_22 = arith.mulf %dot_general3A_13, %get3A_16 : vector<128x8192xf32>
    %add3A = arith.addf %mul3A_21, %mul3A_22 : vector<128x8192xf32>
    %reshape3A_23 = vector.shape_cast %sub3A : vector<128x8192xf32> to vector<128x64x128xf32>
    %reshape3A_24 = vector.shape_cast %add3A : vector<128x8192xf32> to vector<128x64x128xf32>
    %get3A_25 = arith.constant 0 : index
    %get3A_26 = arith.constant 0 : index
    %get3A_27 = vector.load %arg7[%get3A_25, %get3A_26] : memref<64x64xf32, #tpu.memory_space<vmem>>, vector<64x64xf32>
    %get3A_28 = arith.constant 0 : index
    %get3A_29 = arith.constant 0 : index
    %get3A_30 = vector.load %arg8[%get3A_28, %get3A_29] : memref<64x64xf32, #tpu.memory_space<vmem>>, vector<64x64xf32>
    %dot_general3A_31 = arith.constant dense<0.000000e+00> : vector<64x128x128xf32>
    %dot_general3A_32 = tpu.matmul %get3A_27, %reshape3A_23, %dot_general3A_31 {dimension_numbers = #tpu.dot_dimension_numbers<[1], [1], [0], [0, 2], [0, 0, 1, 0, 1, 2], [], []>, precision = #tpu.contract_precision<fp32>, transpose_lhs_hint = false} : vector<64x64xf32>, vector<128x64x128xf32>, vector<64x128x128xf32> -> vector<64x128x128xf32>
    %dot_general3A_33 = arith.constant dense<0.000000e+00> : vector<64x128x128xf32>
    %dot_general3A_34 = tpu.matmul %get3A_30, %reshape3A_24, %dot_general3A_33 {dimension_numbers = #tpu.dot_dimension_numbers<[1], [1], [0], [0, 2], [0, 0, 1, 0, 1, 2], [], []>, precision = #tpu.contract_precision<fp32>, transpose_lhs_hint = false} : vector<64x64xf32>, vector<128x64x128xf32>, vector<64x128x128xf32> -> vector<64x128x128xf32>
    %sub3A_35 = arith.subf %dot_general3A_32, %dot_general3A_34 : vector<64x128x128xf32>
    %dot_general3A_36 = arith.constant dense<0.000000e+00> : vector<64x128x128xf32>
    %dot_general3A_37 = tpu.matmul %get3A_27, %reshape3A_24, %dot_general3A_36 {dimension_numbers = #tpu.dot_dimension_numbers<[1], [1], [0], [0, 2], [0, 0, 1, 0, 1, 2], [], []>, precision = #tpu.contract_precision<fp32>, transpose_lhs_hint = false} : vector<64x64xf32>, vector<128x64x128xf32>, vector<64x128x128xf32> -> vector<64x128x128xf32>
    %dot_general3A_38 = arith.constant dense<0.000000e+00> : vector<64x128x128xf32>
    %dot_general3A_39 = tpu.matmul %get3A_30, %reshape3A_23, %dot_general3A_38 {dimension_numbers = #tpu.dot_dimension_numbers<[1], [1], [0], [0, 2], [0, 0, 1, 0, 1, 2], [], []>, precision = #tpu.contract_precision<fp32>, transpose_lhs_hint = false} : vector<64x64xf32>, vector<128x64x128xf32>, vector<64x128x128xf32> -> vector<64x128x128xf32>
    %add3A_40 = arith.addf %dot_general3A_37, %dot_general3A_39 : vector<64x128x128xf32>
    %reshape3A_41 = vector.shape_cast %sub3A_35 : vector<64x128x128xf32> to vector<8192x128xf32>
    %reshape3A_42 = vector.shape_cast %add3A_40 : vector<64x128x128xf32> to vector<8192x128xf32>
    %mul3A_43 = arith.mulf %reshape3A_41, %reshape3A_41 : vector<8192x128xf32>
    %mul3A_44 = arith.mulf %reshape3A_42, %reshape3A_42 : vector<8192x128xf32>
    %add3A_45 = arith.addf %mul3A_43, %mul3A_44 : vector<8192x128xf32>
    %iota3A = tpu.iota {dimensions = array<i32: 0>} : vector<8192x128xi32>
    %le3A = arith.constant 4096 : i32
    %le3A_46 = vector.broadcast %le3A : i32 to vector<8192x128xi32>
    %le3A_47 = arith.cmpi sle, %iota3A, %le3A_46 : vector<8192x128xi32>
    %jit3A = arith.constant -1.000000e+00 : f32
    %broadcast_in_dim3A = vector.broadcast %jit3A : f32 to vector<8192x128xf32>
    %select_n3A = arith.select %le3A_47, %add3A_45, %broadcast_in_dim3A : vector<8192x128xi1>, vector<8192x128xf32>
    %slice3A = vector.extract_strided_slice %select_n3A {offsets = [0, 0], sizes = [4104, 128], strides = [1, 1]} : vector<8192x128xf32> to vector<4104x128xf32>
    %swap3A = arith.constant 0 : index
    %swap3A_48 = arith.constant 0 : index
    %swap3A_49 = arith.constant 0 : index
    %swap3A_50 = vector.load %arg9[%swap3A, %swap3A_48, %swap3A_49] : memref<1x4104x128xf32, #tpu.memory_space<vmem>>, vector<1x4104x128xf32>
    %swap3A_51 = vector.shape_cast %swap3A_50 : vector<1x4104x128xf32> to vector<4104x128xf32>
    %swap3A_52 = vector.shape_cast %slice3A : vector<4104x128xf32> to vector<1x4104x128xf32>
    tpu.vector_store %arg9[%swap3A, %swap3A_48, %swap3A_49], %swap3A_52 {strides = array<i32>} : memref<1x4104x128xf32, #tpu.memory_space<vmem>>, vector<1x4104x128xf32>,
    %slice3A_53 = vector.extract_strided_slice %reshape3A_41 {offsets = [0, 0], sizes = [4, 128], strides = [1, 1]} : vector<8192x128xf32> to vector<4x128xf32>
    %slice3A_54 = vector.extract_strided_slice %reshape3A_42 {offsets = [0, 0], sizes = [4, 128], strides = [1, 1]} : vector<8192x128xf32> to vector<4x128xf32>
    %concatenate3A = tpu.concatenate %slice3A_53, %slice3A_54 in 0 : vector<4x128xf32>, vector<4x128xf32> -> vector<8x128xf32>
    %swap3A_55 = arith.constant 0 : index
    %swap3A_56 = arith.constant 0 : index
    %swap3A_57 = arith.constant 0 : index
    %swap3A_58 = vector.load %arg10[%swap3A_55, %swap3A_56, %swap3A_57] : memref<1x8x128xf32, #tpu.memory_space<vmem>>, vector<1x8x128xf32>
    %swap3A_59 = vector.shape_cast %swap3A_58 : vector<1x8x128xf32> to vector<8x128xf32>
    %swap3A_60 = vector.shape_cast %concatenate3A : vector<8x128xf32> to vector<1x8x128xf32>
    tpu.vector_store %arg10[%swap3A_55, %swap3A_56, %swap3A_57], %swap3A_60 {strides = array<i32>} : memref<1x8x128xf32, #tpu.memory_space<vmem>>, vector<1x8x128xf32>,
    return
  }
  func.func @transform_0(%arg0: i32, %arg1: i32) -> (i32, i32, i32, i32) {
    %c0_i32 = arith.constant 0 : i32
    %c0_i32_0 = arith.constant 0 : i32
    %c0_i32_1 = arith.constant 0 : i32
    return %arg0, %c0_i32, %c0_i32_0, %arg1 : i32, i32, i32, i32
  }
  func.func @transform_1(%arg0: i32, %arg1: i32) -> (i32, i32) {
    %c0_i32 = arith.constant 0 : i32
    %c0_i32_0 = arith.constant 0 : i32
    %c0_i32_1 = arith.constant 0 : i32
    return %c0_i32, %c0_i32_0 : i32, i32
  }
  func.func @transform_2(%arg0: i32, %arg1: i32) -> (i32, i32) {
    %c0_i32 = arith.constant 0 : i32
    %c0_i32_0 = arith.constant 0 : i32
    %c0_i32_1 = arith.constant 0 : i32
    return %c0_i32, %c0_i32_0 : i32, i32
  }
  func.func @transform_3(%arg0: i32, %arg1: i32) -> (i32, i32) {
    %c0_i32 = arith.constant 0 : i32
    %c0_i32_0 = arith.constant 0 : i32
    %c0_i32_1 = arith.constant 0 : i32
    return %c0_i32, %c0_i32_0 : i32, i32
  }
  func.func @transform_4(%arg0: i32, %arg1: i32) -> (i32, i32) {
    %c0_i32 = arith.constant 0 : i32
    %c0_i32_0 = arith.constant 0 : i32
    %c0_i32_1 = arith.constant 0 : i32
    return %c0_i32, %c0_i32_0 : i32, i32
  }
  func.func @transform_5(%arg0: i32, %arg1: i32) -> (i32, i32) {
    %c0_i32 = arith.constant 0 : i32
    %c0_i32_0 = arith.constant 0 : i32
    %c0_i32_1 = arith.constant 0 : i32
    return %c0_i32, %c0_i32_0 : i32, i32
  }
  func.func @transform_6(%arg0: i32, %arg1: i32) -> (i32, i32) {
    %c0_i32 = arith.constant 0 : i32
    %c0_i32_0 = arith.constant 0 : i32
    %c0_i32_1 = arith.constant 0 : i32
    return %c0_i32, %c0_i32_0 : i32, i32
  }
  func.func @transform_7(%arg0: i32, %arg1: i32) -> (i32, i32, i32) {
    %c0_i32 = arith.constant 0 : i32
    %c0_i32_0 = arith.constant 0 : i32
    return %arg0, %c0_i32, %arg1 : i32, i32, i32
  }
  func.func @transform_8(%arg0: i32, %arg1: i32) -> (i32, i32, i32) {
    %c0_i32 = arith.constant 0 : i32
    %c0_i32_0 = arith.constant 0 : i32
    return %arg0, %c0_i32, %arg1 : i32, i32, i32
  }
}

</mosaic_0001>

<sc_bundles>
// kernel: kernel.5.cloned.1.call-start
scs
__scs_entry_jumppad:
0x0: {  	(pc) =	sbr.rel $0x88, $3  }
0x1: {  	(tag) =	ssettag $0x0;
	lr =	simm.s32 $0x1  }
0x2: {  	[smem:$0x3FA0] =	sst lr;
	_ =	strace $0xD0000000  }
0x3: {  	_ = 	snop  }
0x4: {  	_ = 	snop  }
0x5: {  	_ = 	snop  }
0x6: {  	_ = 	snop  }
0x7: {  	_ = 	snop  }
__scs_overlays_trampoline_lowered:
0x8: {  	[smem:$0x3FAF] =	sst s0  }
0x9: {  	[smem:$0x3FB0] =	sst s1  }
0xa: {  	[smem:$0x3FB1] =	sst s2  }
0xb: {  	[smem:$0x3FB2] =	sst s3  }
0xc: {  	[smem:$0x3FB3] =	sst s4  }
0xd: {  	[smem:$0x3FB4] =	sst s5  }
0xe: {  	[smem:$0x3FB5] =	sst s6  }
0xf: {  	[smem:$0x3FB6] =	sst s7  }
0x10: {  	[smem:$0x3FB7] =	sst s8  }
0x11: {  	[smem:$0x3FB8] =	sst s9;
	s0 =	simm.s32 @!p0 $0x0  }
0x12: {  	s1 =	sld [smem:$0x3F9E];
	s0 =	simm.s32 @p0 $0x1  }
0x13: {  	[smem:$0x3FB9] =	sst s0;
	s0 =	simm.s32 @!p1 $0x0  }
0x14: {  	s2 =	sld [smem:$0x3F9D];
	s0 =	simm.s32 @p1 $0x1  }
0x15: {  	[smem:$0x3FBA] =	sst s0;
	s0 =	simm.s32 @!p2 $0x0  }
0x16: {  	s3 =	sld [smem:$0x3FDB];
	s0 =	simm.s32 @p2 $0x1  }
0x17: {  	s4 =	simm.s32 $0x1BF5;
	[smem:$0x3FBC] =	sst s0  }
0x18: {  	s0 =	sld [smem:$0x3F9F];
	_ =	swait.ge [sflag:s4], $0x0  }
0x19: {  	s7 =	sld [smem:$0x3FA0]  }
0x1a: {  	s8 =	sadd.s32 $0xFFFFE003, lr  }
0x1b: {  	s9 =	sadd.s32 $0xFFFFFEF7, lr;
	s5 =	simm.s32 $0xFFFFFFFF;
	p2 =	slt.u32 s8, $0xFFFFF086  }
0x1c: {  	p1 =	slt.u32 s9, $0xF7A;
	s5 =	simm.s32 @!p2 $0x0  }
0x1d: {  	s5 =	simm.s32 @p1 $0x1;
	p0 =	seq.s32 s7, s2  }
0x1e: {  	s7 =	smul.u32 @!p0 $0xF7A, s2;
	p2 =	seq.s32 @!p0 s5, $0x0  }
0x1f: {  	s9 =	smul.u32 $0xF7A, s1;
	s8 =	simm.s32 @!p0 $0x1BF5;
	p2 =	por !p2, p0  }
0x20: {  	[sflag:s8] =	ssyncset.s32 @!p0 $0xFFFFF086;
	s6 =	sadd.s32 @!p0 s3, s7;
	s7 =	simm.s32 @!p0 $0x108  }
0x21: {  	s3 =	sadd.s32 s3, s9;
	s6 =	sadd.s32 @!p0 $0x88, s6;
	s7 =	simm.s32 @p2 $0x1082  }
0x22: {  	[simem:s7], [sflag:s8] =	dma.local @!p0 [hbm:s6], $0xF7A  }
0x23: {  	s9 =	sor.u32 $0xD0000000, s2;
	s6 =	simm.s32 $0x108;
	_ =	swait.ge @!p0 [sflag:s8], $0x0  }
0x24: {  	s3 =	sadd.s32 $0x88, s3;
	s6 =	simm.s32 @!p1 $0x1082;
	[sflag:s4] =	ssyncset.s32 $0xFFFFF086  }
0x25: {  	[simem:s6], [sflag:s4] =	dma.local [hbm:s3], $0xF7A  }
0x26: {  	[smem:$0x3FA0] =	sst s1;
	(tag) =	ssettag s2;
	_ =	strace s9  }
0x27: {  	s1 =	sld [smem:$0x3FB0]  }
0x28: {  	s2 =	sld [smem:$0x3FB1]  }
0x29: {  	s4 =	sld [smem:$0x3FB3]  }
0x2a: {  	p0 =	seq.s32 s5, $0x0;
	s5 =	sld [smem:$0x3FB4]  }
0x2b: {  	s6 =	sld [smem:$0x3FB5]  }
0x2c: {  	s7 =	sld [smem:$0x3FB6]  }
0x2d: {  	s3 =	simm.s32 $0x108;
	s8 =	sld [smem:$0x3FB7]  }
0x2e: {  	s3 =	simm.s32 @!p0 $0x1082;
	s9 =	sld [smem:$0x3FB8]  }
0x2f: {  	lr =	sadd.s32 s0, s3;
	s0 =	sld [smem:$0x3FAF]  }
0x30: {  	s3 =	sld [smem:$0x3FB2]  }
0x31: {  	[smem:$0x3FBB] =	sst s10  }
0x32: {  	s10 =	sld [smem:$0x3FB9];
	_ =	sdelay $0x3  }
0x33: {  	p0 =	seq.s32 s10, $0x1;
	s10 =	sld [smem:$0x3FBB];
	_ =	sdelay $0x3  }
0x34: {  	[smem:$0x3FBB] =	sst s10  }
0x35: {  	s10 =	sld [smem:$0x3FBA];
	_ =	sdelay $0x3  }
0x36: {  	p1 =	seq.s32 s10, $0x1;
	s10 =	sld [smem:$0x3FBB];
	_ =	sdelay $0x3  }
0x37: {  	[smem:$0x3FBB] =	sst s10  }
0x38: {  	s10 =	sld [smem:$0x3FBC]  }
0x39: {  	_ = 	snop;
	(pc) =	sbr.ind lr, $3  }
0x3a: {  	_ = 	snop  }
0x3b: {  	_ = 	snop  }
0x3c: {  	p2 =	seq.s32 s10, $0x1;
	s10 =	sld [smem:$0x3FBB]  }
0x3d: {  	_ =	shalt  }
0x3e: {  	_ =	shalt  }
0x3f: {  	_ =	shalt  }
0x40: {  	_ =	shalt  }
0x41: {  	_ =	shalt  }
0x42: {  	_ =	shalt  }
0x43: {  	_ =	shalt  }
0x44: {  	_ =	shalt  }
0x45: {  	_ =	shalt  }
0x46: {  	_ =	shalt  }
0x47: {  	_ =	shalt  }
0x48: {  	_ =	shalt  }
0x49: {  	_ =	shalt  }
0x4a: {  	_ =	shalt  }
0x4b: {  	_ =	shalt  }
0x4c: {  	_ =	shalt  }
0x4d: {  	_ =	shalt  }
0x4e: {  	_ =	shalt  }
0x4f: {  	_ =	shalt  }
0x50: {  	_ =	shalt  }
0x51: {  	_ =	shalt  }
0x52: {  	_ =	shalt  }
0x53: {  	_ =	shalt  }
0x54: {  	_ =	shalt  }
0x55: {  	_ =	shalt  }
0x56: {  	_ =	shalt  }
0x57: {  	_ =	shalt  }
0x58: {  	_ =	shalt  }
0x59: {  	_ =	shalt  }
0x5a: {  	_ =	shalt  }
0x5b: {  	_ =	shalt  }
0x5c: {  	_ =	shalt  }
0x5d: {  	_ =	shalt  }
0x5e: {  	_ =	shalt  }
0x5f: {  	_ =	shalt  }
0x60: {  	_ =	shalt  }
0x61: {  	_ =	shalt  }
0x62: {  	_ =	shalt  }
0x63: {  	_ =	shalt  }
0x64: {  	_ =	shalt  }
0x65: {  	_ =	shalt  }
0x66: {  	_ =	shalt  }
0x67: {  	_ =	shalt  }
0x68: {  	_ =	shalt  }
0x69: {  	_ =	shalt  }
0x6a: {  	_ =	shalt  }
0x6b: {  	_ =	shalt  }
0x6c: {  	_ =	shalt  }
0x6d: {  	_ =	shalt  }
0x6e: {  	_ =	shalt  }
0x6f: {  	_ =	shalt  }
0x70: {  	_ =	shalt  }
0x71: {  	_ =	shalt  }
0x72: {  	_ =	shalt  }
0x73: {  	_ =	shalt  }
0x74: {  	_ =	shalt  }
0x75: {  	_ =	shalt  }
0x76: {  	_ =	shalt  }
0x77: {  	_ =	shalt  }
0x78: {  	_ =	shalt  }
0x79: {  	_ =	shalt  }
0x7a: {  	_ =	shalt  }
0x7b: {  	_ =	shalt  }
0x7c: {  	_ =	shalt  }
0x7d: {  	_ =	shalt  }
0x7e: {  	_ =	shalt  }
0x7f: {  	_ =	shalt  }
0x80: {  	_ =	shalt  }
0x81: {  	_ =	shalt  }
0x82: {  	_ =	shalt  }
0x83: {  	_ =	shalt  }
0x84: {  	_ =	shalt  }
0x85: {  	_ =	shalt  }
0x86: {  	_ =	shalt  }
0x87: {  	_ =	shalt  }
.Lfunc_end0:
.L_simem_size_0:
called_computation_lowered:
.L_overlay_start_0:
0x88: {  	s2 =	sld [smem:$0x3FD9]  }
0x89: {  	s3 =	sld [smem:$0x3FFE];
	_ =	sdelay $0x1  }
0x8a: {  	s1 =	srdreg.scid  }
0x8b: {  	s0 =	sand.u32 $0x1, s1  }
0x8c: {  	s17 =	sshll.u32 s0, $0xA;
	s2 =	sadd.s32 s3, s2  }
0x8d: {  	s2 =	sadd.s32 s2, s17  }
0x8e: {  	[smem:$0x3FC7] =	sst s2  }
0x8f: {  	_ = 	snop  }
0x90: {  	s2 =	sld [smem:$0x3FD0];
	(tm) =	ssettm $0x1  }
0x91: {  	s18 =	sld [smem:$0x3FFB];
	_ =	sdelay $0x3  }
0x92: {  	_ =	strace s18  }
0x93: {  	s3 =	sld [smem:$0x3FFC];
	_ =	sdelay $0x3  }
0x94: {  	_ =	strace s3  }
0x95: {  	s3 =	sld [smem:$0x3FFD];
	_ =	sdelay $0x3  }
0x96: {  	_ =	strace s3  }
0x97: {  	_ =	strace $0x8FFFFFFF  }
0x98: {  	s19 =	sld [smem:$0x3FDB];
	_ =	sdelay $0x1  }
0x99: {  	s4 =	simm.s32 $_scs_section_size  }
0x9a: {  	s5 =	simm.s32 $_size__tile_overlayer_lowered;
	s6 =	simm.s32 $_tile_overlayer_lowered  }
0x9b: {  	s22 =	simm.s32 $0x1BFF;
	s21 =	sshll.u32 s6, $0x1;
	s3 =	sadd.s32 s4, s19  }
0x9c: {  	s7 =	simm.s32 $0x0;
	s20 =	sshll.u32 s5, $0x1;
	s5 =	sadd.s32 s21, s3  }
0x9d: {  	[timem:s7], [sflag:s22] =	dma.local [hbm:s5], s20  }
0x9e: {  	_ =	swait.ge [sflag:s22], s20  }
0x9f: {  	s4 =	ssub.s32 $0x0, s20;
	[sflag:s22] =	ssyncset.done $0x0  }
0xa0: {  	[sflag:s22] =	ssyncadd.s32 s4;
	_ =	sdelay $0x1  }
0xa1: {  	s23 =	simm.s32 $0x1B8B  }
0xa2: {  	_ =	swait.ge [sflag:s23], $0x1  }
0xa3: {  	[sflag:s23] =	ssyncset.done $0x0  }
0xa4: {  	s25 =	simm.s32 $0x1B8E;
	s24 =	sld [smem:$0x3FFE];
	[sflag:s23] =	ssyncadd.s32 $0xFFFFFFFF  }
0xa5: {  	s26 =	simm.s32 $execute0_lowered;
	[smem:$0x3FD2] =	sst s25  }
0xa6: {  	s5 =	sshll.u32 s26, $0x1;
	_ =	strace $0x80000046;
	[dreg:$0x1] =	wrdreg $0xFFFFFFFF  }
0xa7: {  	s28 =	simm.s32 $_size_execute0_lowered;
	s3 =	sadd.s32 s3, s5;
	[dreg:$0x0] =	wrdreg $0x0  }
0xa8: {  	s5 =	sshll.u32 s28, $0x1;
	[dreg:$0x2] =	wrdreg s3  }
0xa9: {  	[dreg:$0x3] =	wrdreg s5  }
0xaa: {  	[dreg:$0x4] =	wrdreg $0xC0  }
0xab: {  	_ =	task [dreg:s7], $0x5FFFF  }
0xac: {  	[dreg:$0x1] =	wrdreg $0xFFFFFFFF  }
0xad: {  	[dreg:$0x0] =	wrdreg $0x60  }
0xae: {  	[dreg:$0x2] =	wrdreg s2  }
0xaf: {  	[dreg:$0x3] =	wrdreg s24  }
0xb0: {  	[dreg:$0x4] =	wrdreg $0x9  }
0xb1: {  	_ =	task.clear_ibuf [dreg:s7], $0x5FFFF;
	_ =	strace $0x90000046  }
0xb2: {  	s29 =	simm.s32 $0x9;
	_ =	strace $0x80000048  }
0xb3: {  	_ =	swait.ge [sflag:s29], $0x1  }
0xb4: {  	[sflag:s29] =	ssyncadd.s32 $0xFFFFFFFF  }
0xb5: {  	_ =	strace $0x90000048  }
0xb6: {  	_ =	sfence  }
0xb7: {  	s30 =	sld [smem:$0x0];
	_ =	sdelay $0x2  }
0xb8: {  	s31 =	sshll.u32 s1, $0xD;
	s1 =	sshrl.u32 s1, $0x2  }
0xb9: {  	s3 =	sand.u32 $0x4000, s31;
	s1 =	sadd.s32 s1, s30  }
0xba: {  	s0 =	sor.u32 s3, s0;
	s1 =	sshll.u32 s1, $0x11  }
0xbb: {  	s0 =	sor.u32 s1, s0  }
0xbc: {  	s0 =	sadd.s32 $0x8F2B, s0  }
0xbd: {  	[sflag:s0] =	ssyncadd.remote.s32 $0x1  }
0xbe: {  	_ =	sfence.sel $0xFFFF  }
0xbf: {  	[dreg:$0x0] =	wrdreg $0xFFFFFFFF;
	(pc) =	sbr.abs _section_cstart, $3  }
0xc0: {  	[dreg:$0x1] =	wrdreg $0xFFFFFFFF  }
0xc1: {  	_ =	task.clear_ibuf [dreg:s7], $0x2FFFF;
	_ =	strace $0x9FFFFFFF  }
0xc2: {  	(tm) =	ssettm $0x7FFFFFFF  }
0xc3: {  	_ =	shalt  }
tec
execute0_lowered:
.L_overlay_start_1:
0x0: {  	(tag) =	ssettag $0x1  }
0x1: {  	s0 =	srdreg.scid  }
0x2: {  	s4 =	sand.u32 $0x1, s0  }
0x3: {  	s1 =	stileid.u32;
	s3 =	sshll.u32 s4, $0x4  }
0x4: {  	s3 =	sor.u32 s1, s3  }
0x5: {  	p0 =	sgt.u32 s3, $0x17  }
.Ltmp0:
0x6: {  	_ = 	snop;
	(pc) =	sbr.rel @p0 .LBB2_11-.Ltmp0, $4  }
0x7: {  	s5 =	rddreg [dreg:$0x0]  }
0x8: {  	s6 =	rddreg [dreg:$0x1];
	s2 =	simm.s32 $0x0  }
0x9: {  	[smem:$0x7FF] =	sst s2  }
0xa: {  	s0 =	rddreg [dreg:$0x2];
	_ =	strace $0x80000047  }
0xb: {  	s7 =	smul.u32 $0x2B, s3;
	_ =	sdelay $0x1  }
0xc: {  	s7 =	sshrl.u32 s7, $0x8  }
0xd: {  	s8 =	smul.u32 $0x6, s7  }
0xe: {  	s10 =	ssub.s32 $0x2, s4;
	s11 =	simm.s32 $0x10000;
	s12 =	simm.s32 $0x10400  }
0xf: {  	s13 =	simm.s32 $0x0;
	s30 =	sshrl.u32 s10, $0x1;
	s29 =	ssub.s32 s3, s8  }
0x10: {  	s31 =	ssub.s32 s10, s30;
	s3 =	smul.u32 $0x301800, s7;
	s8 =	sand.u32 $0xFF, s29  }
0x11: {  	s10 =	simm.s32 $0x1;
	s9 =	sshll.u32 s8, $0x7;
	s8 =	sshll.u32 s8, $0xA  }
0x12: {  	s7 =	smul.u32 $0x300, s7;
	s6 =	sadd.s32 s9, s6;
	s8 =	sadd.s32 s8, s3  }
0x13: {  	s4 =	sadd.s32 s5, s9;
	s9 =	simm.s32 $0x1800;
	s8 =	sadd.s32 $0x300000, s8  }
0x14: {  	s6 =	sadd.s32 s7, s6;
	s7 =	smax.u32 s31, $0x1;
	s8 =	sshrl.u32 s8, $0x3  }
0x15: {  	v0 =	vimm.s32 $0x0;
	s6 =	sadd.s32 $0x1400, s6;
	s5 =	sadd.s32 s5, s8;
	s8 =	simm.s32 $0x400  }
.LBB2_2:
0x16: {  	s14 =	simm.s32 $0x0;
	s15 =	simm.s32 $0x10000;
	s16 =	simm.s32 $0x0  }
.LBB2_3:
0x17: {  	v5 =	vmov s14  }
0x18: {  	v7 =	vimm.f32 $-2.000000000e+00;
	v9 =	vimm.s32 $0x0  }
0x19: {  	v1 =	vimm.s32 $0x0;
	v3 =	vimm.s32 $0x0;
	v2 =	vimm.s32 $0x0  }
0x1a: {  	s17 =	sshll.u32 s16, $0x4;
	s18 =	simm.s32 $0x0;
	v6 =	vimm.f32 $-2.000000000e+00;
	v8 =	vimm.f32 $-2.000000000e+00;
	v4 =	vimm.f32 $-2.000000000e+00;
	s19 =	simm.s32 $0x0  }
.LBB2_4:
0x1b: {  	s20 =	smul.u32 $0x60000, s19;
	_ =	sdelay $0x1  }
0x1c: {  	s20 =	sadd.s32 s3, s20  }
0x1d: {  	s20 =	sshrl.u32 s20, $0x3  }
0x1e: {  	s21 =	simm.s32 $0x0;
	s20 =	sadd.s32 s20, s4  }
0x1f: {  	[tilespmem:s21], [sflag:$0x1] =	stream.strided.gather [hbm4b:s20+s8], $0x10000, s9, s8, $0x38;
	[tilespmem:$0x10800] =	vst v63  }
0x20: {  	_ =	swait.ge [sflag:s10], $0x10000  }
0x21: {  	[sflag:s10] =	ssyncset.done $0x0  }
0x22: {  	s30 =	simm.s32 $0x0;
	[sflag:s10] =	ssyncadd.s32 $0xFFFF0000  }
0x23: {  	v12 =	vld.idx.msk [tilespmem:v5+s30+$0x0 ss:$0x1], $0xffff;
	_ =	sdelay $0x4  }
0x24: {  	s31 =	simm.s32 $0x80;
	vm0 =	vgt.f32 v12, v4;
	vm2 =	vgt.f32 v12, v7  }
0x25: {  	v10 =	vld.idx.msk [tilespmem:v5+s31+$0x0 ss:$0x1], $0xffff;
	vm1 =	vgt.f32 v12, v6;
	v7 =	vsel vm2, v12, v7;
	v9 =	vsel vm2, s18, v9  }
0x26: {  	vm2 =	vgt.f32 v12, v8;
	v7 =	vsel vm1, v6, v7;
	v6 =	vsel vm1, v12, v6  }
0x27: {  	v11 =	vsel vm2, s18, v3;
	v6 =	vsel vm2, v8, v6;
	v8 =	vsel vm2, v12, v8  }
0x28: {  	s21 =	simm.s32 $0x400;
	s20 =	smov.u32 s18;
	v13 =	vsel vm1, s18, v1;
	v11 =	vsel vm0, v2, v11;
	v8 =	vsel vm0, v4, v8  }
.LBB2_5:
0x29: {  	s22 =	sshra.s32 s21, $0x2;
	p0 =	sne.s32 s21, $0x3FE00;
	s21 =	sadd.s32 $0x200, s21;
	v9 =	vsel vm1, v1, v9;
	v1 =	vsel vm2, v3, v13;
	v4 =	vsel vm0, v12, v4;
	v3 =	vmovc v11  }
.Ltmp1:
0x2a: {  	vm2 =	vgt.f32 v10, v7;
	v2 =	vsel vm0, s20, v2;
	s20 =	sadd.s32 $0x1, s20;
	v12 =	vmovc v10;
	vm0 =	vgt.f32 v10, v4;
	v10 =	vld.idx.msk [tilespmem:v5+s22+$0x0 ss:$0x1], $0xffff;
	(pc) =	sbr.rel @p0 .LBB2_5-.Ltmp1, $4  }
0x2b: {  	vm1 =	vgt.f32 v12, v6;
	v7 =	vsel vm2, v12, v7;
	v9 =	vsel vm2, s20, v9  }
0x2c: {  	vm2 =	vgt.f32 v12, v8;
	v7 =	vsel vm1, v6, v7;
	v6 =	vsel vm1, v12, v6  }
0x2d: {  	v11 =	vsel vm2, s20, v11;
	v6 =	vsel vm2, v8, v6;
	v8 =	vsel vm2, v12, v8  }
0x2e: {  	v13 =	vsel vm1, s20, v1;
	v11 =	vsel vm0, v2, v11;
	v8 =	vsel vm0, v4, v8  }
0x2f: {  	v1 =	vsel vm1, v1, v9  }
0x30: {  	v9 =	vsel vm2, v3, v13;
	v4 =	vsel vm0, v12, v4;
	vm12 =	vgt.f32 v10, v7;
	s19 =	sadd.s32 $0x1, s19  }
0x31: {  	v2 =	vsel vm0, s20, v2;
	s31 =	sadd.s32 $0x1, s20;
	vm13 =	vgt.f32 v10, v6;
	vm14 =	vgt.f32 v10, v8;
	p0 =	sne.s32 s19, $0x8  }
.Ltmp2:
0x32: {  	v3 =	vsel vm12, v10, v7;
	v1 =	vsel vm12, s31, v1;
	v62 =	vsel vm13, v10, v6;
	(pc) =	sbr.rel @p0 .LBB2_4-.Ltmp2, $4  }
0x33: {  	vm15 =	vgt.f32 v10, v4;
	v63 =	vsel vm14, s31, v11;
	v13 =	vsel vm13, s31, v9  }
0x34: {  	v7 =	vsel vm13, v6, v3;
	v6 =	vsel vm14, v8, v62;
	v3 =	vsel vm14, v10, v8  }
0x35: {  	v9 =	vsel vm13, v9, v1;
	v1 =	vsel vm14, v11, v13;
	v8 =	vsel vm15, v4, v3  }
0x36: {  	s18 =	sadd.s32 $0x200, s18;
	v3 =	vsel vm15, v2, v63;
	v4 =	vsel vm15, v10, v4;
	v2 =	vsel vm15, s31, v2  }
0x37: {  	[tilespmem:s11], [sflag:$0x1] =	stream.linear.gather [hbm4b:s5+s2], $0x400, $0x38;
	[tilespmem:$0x10800] =	vst v63  }
0x38: {  	_ =	swait.ge [sflag:s10], $0x400  }
0x39: {  	[sflag:s10] =	ssyncset.done $0x0  }
0x3a: {  	[sflag:s10] =	ssyncadd.s32 $0xFFFFFC00  }
0x3b: {  	v10 =	vld [tilespmem:s15+$0x0];
	_ =	sdelay $0x4  }
0x3c: {  	s18 =	simm.s32 $0x1000;
	s19 =	simm.s32 $0x1001;
	s20 =	sadd.s32 $0x80, s15;
	v5 =	vmov v3;
	vm0 =	vgt.f32 v10, v4;
	vm1 =	vgt.f32 v10, v7  }
.LBB2_8:
0x3d: {  	v11 =	vld [tilespmem:s20+$0x0];
	p0 =	sne.s32 s19, $0x1007;
	vm2 =	vgt.f32 v10, v6;
	v7 =	vsel vm1, v10, v7;
	v9 =	vsel vm1, s18, v9;
	s21 =	smov.u32 s19;
	s19 =	sadd.s32 $0x1, s19  }
.Ltmp3:
0x3e: {  	vm1 =	vgt.f32 v10, v8;
	v7 =	vsel vm2, v6, v7;
	v6 =	vsel vm2, v10, v6;
	(pc) =	sbr.rel @p0 .LBB2_8-.Ltmp3, $4  }
0x3f: {  	v3 =	vsel vm1, s18, v3;
	v6 =	vsel vm1, v8, v6;
	v8 =	vsel vm1, v10, v8  }
0x40: {  	v12 =	vsel vm2, s18, v1;
	v3 =	vsel vm0, v2, v3;
	v8 =	vsel vm0, v4, v8  }
0x41: {  	v9 =	vsel vm2, v1, v9;
	v1 =	vsel vm1, v5, v12;
	v4 =	vsel vm0, v10, v4;
	v5 =	vmovc v3  }
0x42: {  	s20 =	sadd.s32 $0x80, s20;
	v2 =	vsel vm0, s18, v2;
	s18 =	smov.u32 s21;
	vm1 =	vgt.f32 v11, v7;
	vm0 =	vgt.f32 v11, v4;
	v10 =	vmovc v11  }
0x43: {  	[tilespmem:s17+$0x10600] =	vst v0  }
0x44: {  	[tilespmem:s17+$0x10680] =	vst v0;
	s16 =	sadd.s32 $0x1, s16  }
0x45: {  	vm2 =	vgt.f32 v10, v8;
	[tilespmem:s17+$0x10700] =	vst v0;
	p0 =	sne.s32 s16, $0x8  }
.Ltmp4:
0x46: {  	v4 =	vsel vm0, s18, v2;
	[tilespmem:s17+$0x10780] =	vst v0;
	v3 =	vsel vm2, s18, v3;
	(pc) =	sbr.rel @p0 .LBB2_3-.Ltmp4, $4  }
0x47: {  	vm3 =	vgt.f32 v10, v6;
	v63 =	vsel vm1, s18, v9;
	[tilespmem:s17+$0x10400] =	vst v4;
	v2 =	vsel vm0, v2, v3  }
0x48: {  	v3 =	vsel vm3, s18, v1;
	v1 =	vsel vm3, v1, v63;
	[tilespmem:s17+$0x10480] =	vst v2  }
0x49: {  	v3 =	vsel vm2, v5, v3;
	[tilespmem:s17+$0x10580] =	vst v1  }
0x4a: {  	s14 =	sadd.s32 $0x10, s14;
	s15 =	sadd.s32 $0x10, s15;
	[tilespmem:s17+$0x10500] =	vst v3  }
0x4b: {  	s13 =	sadd.s32 $0x1, s13  }
0x4c: {  	p0 =	sne.s32 s13, s7  }
.Ltmp5:
0x4d: {  	_ = 	snop;
	(pc) =	sbr.rel @p0 .LBB2_2-.Ltmp5, $4  }
0x4e: {  	[hbm4b:s6+s2] =	stream.linear.scatter [tilespmem:s12], [sflag:$0x1], $0x400, $0x38;
	[tilespmem:$0x10800] =	vst v63  }
0x4f: {  	_ =	swait.ge [sflag:s10], $0x400  }
0x50: {  	[sflag:s10] =	ssyncset.done $0x0  }
0x51: {  	[sflag:s10] =	ssyncadd.s32 $0xFFFFFC00  }
.LBB2_11:
0x52: {  	_ =	sfence.sel $0x180000  }
0x53: {  	[bflag:$0x0] =	sbarrier.arrive $0xFFFF  }
0x54: {  	p0 =	sne.s32 s1, $0x0;
	_ =	strace $0x90000047  }
0x55: {  	s0 =	sadd.s32 @!p0 $0x100000, s0;
	[bflag:$0x2] =	sbarrier.arrive $0xFFFF  }
0x56: {  	[sflag:s0] =	ssyncadd.tile.s32 @!p0 $0x1;
	_ =	shalt  }
.Lfunc_end2:
_tile_overlayer_lowered:
.L_overlay_start_2:
0x57: {  	(tag) =	ssettag $0x2  }
0x58: {  	s0 =	rddreg [dreg:$0x0];
	s2 =	stileid.u32  }
0x59: {  	s1 =	rddreg [dreg:$0x1];
	p0 =	sne.s32 s2, $0x0  }
0x5a: {  	s3 =	rddreg [dreg:$0x2];
	[bflag:$0x3] =	sbarrier.arrive $0xFFFF;
	s2 =	simm.s32 @!p0 $0x1C01  }
0x5b: {  	[timem:s3], [sflag:s2] =	dma.local @!p0 [hbm:s0], s1  }
0x5c: {  	s0 =	simm.s32 @!p0 $0x1  }
0x5d: {  	_ =	swait.ge @!p0 [sflag:s0], s1  }
0x5e: {  	s1 =	ssub.s32 @!p0 $0x0, s1;
	[sflag:s0] =	ssyncset.done @!p0 $0x0  }
0x5f: {  	[sflag:s0] =	ssyncadd.s32 @!p0 s1  }
0x60: {  	[bflag:$0x3] =	sbarrier.arrive $0xFFFF  }
0x61: {  	_ =	shalt  }

</sc_bundles>
